<compile_context>
chip_gen: v7x
topology: tpu7x:2x2x1
jax: 0.10.2.dev20260603
libtpu: 0.0.44.dev20260713+nightly
codegen_flags: <defaults>
</compile_context>

<pallas_src>
import functools

import jax
import jax.numpy as jnp
from jax import lax
from jax.experimental import pallas as pl
from jax.experimental.pallas import tpu as pltpu
from jax.experimental.pallas import tpu_sc as plsc

VOCAB = 1000000
DIM = 64
B = 4096
T = 200
_info = plsc.get_sparse_core_info()
NC, NS = _info.num_cores, _info.num_subcores
NW = NC * NS
ROWS_PER_W = B // NW
K = 4
NROUND = ROWS_PER_W // K

_mesh = plsc.VectorSubcoreMesh(core_axis_name="c", subcore_axis_name="s")


@functools.partial(
    pl.kernel,
    mesh=_mesh,
    out_type=jax.ShapeDtypeStruct((B, T, DIM), jnp.float32),
    scratch_types=[
        pltpu.VMEM((K, T), jnp.int32),
        pltpu.VMEM((K, T, DIM), jnp.float32),
    ]
    + [pltpu.SemaphoreType.DMA] * (3 * K),
    compiler_params=pltpu.CompilerParams(use_tc_tiling_on_sc=False),
)
def _emb_lookup(x_hbm, table_hbm, out_hbm, idx_v, rows_v, *sems):
    sem_i = sems[0:K]
    sem_g = sems[K : 2 * K]
    sem_s = sems[2 * K : 3 * K]
    wid = lax.axis_index("s") * NC + lax.axis_index("c")
    row0 = wid * ROWS_PER_W

    for b in range(K):
        pltpu.async_copy(x_hbm.at[pl.ds(row0 * T + b * T, T)], idx_v.at[b], sem_i[b])

    def body(g, carry):
        for b in range(K):
            @pl.when(g > 0)
            def _wait_store(b=b):
                pltpu.make_async_copy(rows_v.at[b], out_hbm.at[row0], sem_s[b]).wait()

            pltpu.make_async_copy(
                x_hbm.at[pl.ds(row0 * T, T)], idx_v.at[b], sem_i[b]
            ).wait()
            pltpu.async_copy(table_hbm.at[idx_v.at[b]], rows_v.at[b], sem_g[b])

        for b in range(K):
            row = row0 + g * K + b
            pltpu.make_async_copy(
                table_hbm.at[idx_v.at[b]], rows_v.at[b], sem_g[b]
            ).wait()
            pltpu.async_copy(rows_v.at[b], out_hbm.at[row], sem_s[b])

            @pl.when(g < NROUND - 1)
            def _prefetch_idx(b=b, row=row):
                pltpu.async_copy(
                    x_hbm.at[pl.ds((row + K) * T, T)], idx_v.at[b], sem_i[b]
                )

        return carry

    lax.fori_loop(0, NROUND, body, 0)

    for b in range(K):
        pltpu.make_async_copy(rows_v.at[b], out_hbm.at[row0], sem_s[b]).wait()


def kernel(x, table):
    xf = x.reshape(-1).astype(jnp.int32)
    return _emb_lookup(xf, table)

# --- scband reference (transcript-rebuilt; emitter-appended) ---
"""Pipeline reference for scband-word-embedding-46110768889966 (READ-ONLY COPY).

The authoritative reference and input builder live on the scoring server;
editing this copy changes nothing except your own understanding.
"""

import jax, jax.numpy as jnp
import numpy as np

VOCAB = 1000000
DIM = 64

def setup_inputs(seed: int = 0) -> dict:
    key = jax.random.key(seed)
    k_idx, k_tab = jax.random.split(key)
    x = jax.random.randint(k_idx, (4096, 200), 0, VOCAB, dtype=jnp.int64 if jax.config.jax_enable_x64 else jnp.int32)
    table = jax.random.normal(k_tab, (VOCAB, DIM), dtype=jnp.float32)
    return {"x": x, "table": table}

def reference(x, table) -> jnp.ndarray:
    # nn.Embedding forward: gather rows of the embedding table by index
    return jnp.take(table, x, axis=0)

if __name__ == "__main__":
    import jax
    _d = setup_inputs()
    print(jax.jit(kernel)(*tuple(_d.values())))

</pallas_src>

<mosaic_0001>
#map = affine_map<(d0, d1) -> (0)>
#map1 = affine_map<(d0, d1) -> (0, 0)>
#map2 = affine_map<(d0, d1) -> (0, 0, 0)>
module attributes {stable_mosaic.version = 14 : i64} {
  func.func @_emb_lookup(%arg0: i32, %arg1: i32, %arg2: memref<819200xi32, #tpu.memory_space<hbm>>, %arg3: memref<1000000x64xf32, #tpu.memory_space<hbm>>, %arg4: memref<4096x200x64xf32, #tpu.memory_space<hbm>>, %arg5: memref<4x200xi32, #tpu.memory_space<vmem>>, %arg6: memref<4x200x64xf32, #tpu.memory_space<vmem>>, %arg7: memref<!tpu.dma_semaphore, #tpu.memory_space<semaphore_mem>>, %arg8: memref<!tpu.dma_semaphore, #tpu.memory_space<semaphore_mem>>, %arg9: memref<!tpu.dma_semaphore, #tpu.memory_space<semaphore_mem>>, %arg10: memref<!tpu.dma_semaphore, #tpu.memory_space<semaphore_mem>>, %arg11: memref<!tpu.dma_semaphore, #tpu.memory_space<semaphore_mem>>, %arg12: memref<!tpu.dma_semaphore, #tpu.memory_space<semaphore_mem>>, %arg13: memref<!tpu.dma_semaphore, #tpu.memory_space<semaphore_mem>>, %arg14: memref<!tpu.dma_semaphore, #tpu.memory_space<semaphore_mem>>, %arg15: memref<!tpu.dma_semaphore, #tpu.memory_space<semaphore_mem>>, %arg16: memref<!tpu.dma_semaphore, #tpu.memory_space<semaphore_mem>>, %arg17: memref<!tpu.dma_semaphore, #tpu.memory_space<semaphore_mem>>, %arg18: memref<!tpu.dma_semaphore, #tpu.memory_space<semaphore_mem>>) attributes {dimension_semantics = [#tpu.dimension_semantics<core_parallel>, #tpu.dimension_semantics<subcore_parallel>], iteration_bounds = array<i64: 2, 16>, scalar_prefetch = 0 : i64, scratch_operands = 14 : i64, tpu.core_type = #tpu.core_type<sc_vector_subcore>, window_params = [{transform_indices = #map}, {transform_indices = #map1}, {transform_indices = #map2}]} {
    %mul3A = arith.constant 2 : i32
    %mul3A_0 = arith.muli %arg1, %mul3A : i32
    %add3A = arith.addi %mul3A_0, %arg0 : i32
    %mul3A_1 = arith.constant 128 : i32
    %mul3A_2 = arith.muli %add3A, %mul3A_1 : i32
    %mul3A_3 = arith.constant 200 : i32
    %mul3A_4 = arith.muli %mul3A_2, %mul3A_3 : i32
    %add3A_5 = arith.constant 0 : i32
    %add3A_6 = arith.addi %mul3A_4, %add3A_5 : i32
    %dma_start3A = arith.constant 0 : i32
    %dma_start3A_7 = arith.constant 0 : i32
    %dma_start3A_8 = tpu.memref_slice %arg5[%dma_start3A, %dma_start3A_7] : memref<4x200xi32, #tpu.memory_space<vmem>> -> memref<1x200xi32, #tpu.memory_space<vmem>>
    %dma_start3A_9 = tpu.memref_squeeze %dma_start3A_8 : memref<1x200xi32, #tpu.memory_space<vmem>> -> memref<200xi32, #tpu.memory_space<vmem>>
    %dma_start3A_10 = tpu.memref_slice %arg2[%add3A_6] : memref<819200xi32, #tpu.memory_space<hbm>> -> memref<200xi32, #tpu.memory_space<hbm>>
    %dma_start3A_11 = arith.constant 0 : i32
    %dma_start3A_12 = tpu.memref_slice %arg5[%dma_start3A, %dma_start3A_11] : memref<4x200xi32, #tpu.memory_space<vmem>> -> memref<1x200xi32, #tpu.memory_space<vmem>>
    %dma_start3A_13 = tpu.memref_squeeze %dma_start3A_12 : memref<1x200xi32, #tpu.memory_space<vmem>> -> memref<200xi32, #tpu.memory_space<vmem>>
    %dma_start3A_14 = tpu.memref_slice %arg2[%add3A_6] : memref<819200xi32, #tpu.memory_space<hbm>> -> memref<200xi32, #tpu.memory_space<hbm>>
    tpu.enqueue_dma source(%dma_start3A_14 : memref<200xi32, #tpu.memory_space<hbm>>) target(%dma_start3A_13 : memref<200xi32, #tpu.memory_space<vmem>>) target_semaphore(%arg7 : memref<!tpu.dma_semaphore, #tpu.memory_space<semaphore_mem>>)
    %mul3A_15 = arith.constant 200 : i32
    %mul3A_16 = arith.muli %mul3A_2, %mul3A_15 : i32
    %add3A_17 = arith.constant 200 : i32
    %add3A_18 = arith.addi %mul3A_16, %add3A_17 : i32
    %dma_start3A_19 = arith.constant 1 : i32
    %dma_start3A_20 = arith.constant 0 : i32
    %dma_start3A_21 = tpu.memref_slice %arg5[%dma_start3A_19, %dma_start3A_20] : memref<4x200xi32, #tpu.memory_space<vmem>> -> memref<1x200xi32, #tpu.memory_space<vmem>>
    %dma_start3A_22 = tpu.memref_squeeze %dma_start3A_21 : memref<1x200xi32, #tpu.memory_space<vmem>> -> memref<200xi32, #tpu.memory_space<vmem>>
    %dma_start3A_23 = tpu.memref_slice %arg2[%add3A_18] : memref<819200xi32, #tpu.memory_space<hbm>> -> memref<200xi32, #tpu.memory_space<hbm>>
    %dma_start3A_24 = arith.constant 0 : i32
    %dma_start3A_25 = tpu.memref_slice %arg5[%dma_start3A_19, %dma_start3A_24] : memref<4x200xi32, #tpu.memory_space<vmem>> -> memref<1x200xi32, #tpu.memory_space<vmem>>
    %dma_start3A_26 = tpu.memref_squeeze %dma_start3A_25 : memref<1x200xi32, #tpu.memory_space<vmem>> -> memref<200xi32, #tpu.memory_space<vmem>>
    %dma_start3A_27 = tpu.memref_slice %arg2[%add3A_18] : memref<819200xi32, #tpu.memory_space<hbm>> -> memref<200xi32, #tpu.memory_space<hbm>>
    tpu.enqueue_dma source(%dma_start3A_27 : memref<200xi32, #tpu.memory_space<hbm>>) target(%dma_start3A_26 : memref<200xi32, #tpu.memory_space<vmem>>) target_semaphore(%arg8 : memref<!tpu.dma_semaphore, #tpu.memory_space<semaphore_mem>>)
    %mul3A_28 = arith.constant 200 : i32
    %mul3A_29 = arith.muli %mul3A_2, %mul3A_28 : i32
    %add3A_30 = arith.constant 400 : i32
    %add3A_31 = arith.addi %mul3A_29, %add3A_30 : i32
    %dma_start3A_32 = arith.constant 2 : i32
    %dma_start3A_33 = arith.constant 0 : i32
    %dma_start3A_34 = tpu.memref_slice %arg5[%dma_start3A_32, %dma_start3A_33] : memref<4x200xi32, #tpu.memory_space<vmem>> -> memref<1x200xi32, #tpu.memory_space<vmem>>
    %dma_start3A_35 = tpu.memref_squeeze %dma_start3A_34 : memref<1x200xi32, #tpu.memory_space<vmem>> -> memref<200xi32, #tpu.memory_space<vmem>>
    %dma_start3A_36 = tpu.memref_slice %arg2[%add3A_31] : memref<819200xi32, #tpu.memory_space<hbm>> -> memref<200xi32, #tpu.memory_space<hbm>>
    %dma_start3A_37 = arith.constant 0 : i32
    %dma_start3A_38 = tpu.memref_slice %arg5[%dma_start3A_32, %dma_start3A_37] : memref<4x200xi32, #tpu.memory_space<vmem>> -> memref<1x200xi32, #tpu.memory_space<vmem>>
    %dma_start3A_39 = tpu.memref_squeeze %dma_start3A_38 : memref<1x200xi32, #tpu.memory_space<vmem>> -> memref<200xi32, #tpu.memory_space<vmem>>
    %dma_start3A_40 = tpu.memref_slice %arg2[%add3A_31] : memref<819200xi32, #tpu.memory_space<hbm>> -> memref<200xi32, #tpu.memory_space<hbm>>
    tpu.enqueue_dma source(%dma_start3A_40 : memref<200xi32, #tpu.memory_space<hbm>>) target(%dma_start3A_39 : memref<200xi32, #tpu.memory_space<vmem>>) target_semaphore(%arg9 : memref<!tpu.dma_semaphore, #tpu.memory_space<semaphore_mem>>)
    %mul3A_41 = arith.constant 200 : i32
    %mul3A_42 = arith.muli %mul3A_2, %mul3A_41 : i32
    %add3A_43 = arith.constant 600 : i32
    %add3A_44 = arith.addi %mul3A_42, %add3A_43 : i32
    %dma_start3A_45 = arith.constant 3 : i32
    %dma_start3A_46 = arith.constant 0 : i32
    %dma_start3A_47 = tpu.memref_slice %arg5[%dma_start3A_45, %dma_start3A_46] : memref<4x200xi32, #tpu.memory_space<vmem>> -> memref<1x200xi32, #tpu.memory_space<vmem>>
    %dma_start3A_48 = tpu.memref_squeeze %dma_start3A_47 : memref<1x200xi32, #tpu.memory_space<vmem>> -> memref<200xi32, #tpu.memory_space<vmem>>
    %dma_start3A_49 = tpu.memref_slice %arg2[%add3A_44] : memref<819200xi32, #tpu.memory_space<hbm>> -> memref<200xi32, #tpu.memory_space<hbm>>
    %dma_start3A_50 = arith.constant 0 : i32
    %dma_start3A_51 = tpu.memref_slice %arg5[%dma_start3A_45, %dma_start3A_50] : memref<4x200xi32, #tpu.memory_space<vmem>> -> memref<1x200xi32, #tpu.memory_space<vmem>>
    %dma_start3A_52 = tpu.memref_squeeze %dma_start3A_51 : memref<1x200xi32, #tpu.memory_space<vmem>> -> memref<200xi32, #tpu.memory_space<vmem>>
    %dma_start3A_53 = tpu.memref_slice %arg2[%add3A_44] : memref<819200xi32, #tpu.memory_space<hbm>> -> memref<200xi32, #tpu.memory_space<hbm>>
    tpu.enqueue_dma source(%dma_start3A_53 : memref<200xi32, #tpu.memory_space<hbm>>) target(%dma_start3A_52 : memref<200xi32, #tpu.memory_space<vmem>>) target_semaphore(%arg10 : memref<!tpu.dma_semaphore, #tpu.memory_space<semaphore_mem>>)
    %scan3A = arith.constant 0 : i32
    %scan3A_54 = arith.constant 0 : i32
    %scan3A_55 = arith.constant 32 : i32
    %scan3A_56 = arith.addi %scan3A_54, %scan3A_55 : i32
    %scan3A_57 = arith.constant 1 : i32
    scf.for %scan3A_126 = %scan3A_54 to %scan3A_56 step %scan3A_57  : i32 {
      %gt3A = arith.constant 0 : i32
      %gt3A_127 = arith.cmpi sgt, %scan3A_126, %gt3A : i32
      %convert_element_type3A = arith.extui %gt3A_127 : i1 to i32
      %cond3A = arith.constant 0 : i32
      %cond3A_128 = arith.cmpi ne, %convert_element_type3A, %cond3A : i32
      scf.if %cond3A_128 {
        %dma_wait3A_391 = arith.constant 0 : i32
        %dma_wait3A_392 = arith.constant 0 : i32
        %dma_wait3A_393 = arith.constant 0 : i32
        %dma_wait3A_394 = tpu.memref_slice %arg6[%dma_wait3A_391, %dma_wait3A_392, %dma_wait3A_393] : memref<4x200x64xf32, #tpu.memory_space<vmem>> -> memref<1x200x64xf32, #tpu.memory_space<vmem>>
        %dma_wait3A_395 = tpu.memref_squeeze %dma_wait3A_394 : memref<1x200x64xf32, #tpu.memory_space<vmem>> -> memref<200x64xf32, #tpu.memory_space<vmem>>
        %dma_wait3A_396 = arith.constant 0 : i32
        %dma_wait3A_397 = arith.constant 0 : i32
        %dma_wait3A_398 = tpu.memref_slice %arg4[%mul3A_2, %dma_wait3A_396, %dma_wait3A_397] : memref<4096x200x64xf32, #tpu.memory_space<hbm>> -> memref<1x200x64xf32, #tpu.memory_space<hbm>>
        %dma_wait3A_399 = tpu.memref_squeeze %dma_wait3A_398 : memref<1x200x64xf32, #tpu.memory_space<hbm>> -> memref<200x64xf32, #tpu.memory_space<hbm>>
        %dma_wait3A_400 = arith.constant 0 : i32
        %dma_wait3A_401 = arith.constant 0 : i32
        %dma_wait3A_402 = tpu.memref_slice %arg4[%mul3A_2, %dma_wait3A_400, %dma_wait3A_401] : memref<4096x200x64xf32, #tpu.memory_space<hbm>> -> memref<1x200x64xf32, #tpu.memory_space<hbm>>
        %dma_wait3A_403 = tpu.memref_squeeze %dma_wait3A_402 : memref<1x200x64xf32, #tpu.memory_space<hbm>> -> memref<200x64xf32, #tpu.memory_space<hbm>>
        %dma_wait3A_404 = arith.constant 0 : i32
        %dma_wait3A_405 = arith.constant 0 : i32
        %dma_wait3A_406 = tpu.memref_slice %arg6[%dma_wait3A_391, %dma_wait3A_404, %dma_wait3A_405] : memref<4x200x64xf32, #tpu.memory_space<vmem>> -> memref<1x200x64xf32, #tpu.memory_space<vmem>>
        %dma_wait3A_407 = tpu.memref_squeeze %dma_wait3A_406 : memref<1x200x64xf32, #tpu.memory_space<vmem>> -> memref<200x64xf32, #tpu.memory_space<vmem>>
        tpu.wait_dma2 semaphore(%arg15 : memref<!tpu.dma_semaphore, #tpu.memory_space<semaphore_mem>>) src(%dma_wait3A_407 : memref<200x64xf32, #tpu.memory_space<vmem>>) dst(%dma_wait3A_403 : memref<200x64xf32, #tpu.memory_space<hbm>>)
      } else {
      }
      %mul3A_129 = arith.constant 200 : i32
      %mul3A_130 = arith.muli %mul3A_2, %mul3A_129 : i32
      %dma_wait3A_131 = arith.constant 0 : i32
      %dma_wait3A_132 = arith.constant 0 : i32
      %dma_wait3A_133 = tpu.memref_slice %arg5[%dma_wait3A_131, %dma_wait3A_132] : memref<4x200xi32, #tpu.memory_space<vmem>> -> memref<1x200xi32, #tpu.memory_space<vmem>>
      %dma_wait3A_134 = tpu.memref_squeeze %dma_wait3A_133 : memref<1x200xi32, #tpu.memory_space<vmem>> -> memref<200xi32, #tpu.memory_space<vmem>>
      %dma_wait3A_135 = tpu.memref_slice %arg2[%mul3A_130] : memref<819200xi32, #tpu.memory_space<hbm>> -> memref<200xi32, #tpu.memory_space<hbm>>
      %dma_wait3A_136 = arith.constant 0 : i32
      %dma_wait3A_137 = tpu.memref_slice %arg5[%dma_wait3A_131, %dma_wait3A_136] : memref<4x200xi32, #tpu.memory_space<vmem>> -> memref<1x200xi32, #tpu.memory_space<vmem>>
      %dma_wait3A_138 = tpu.memref_squeeze %dma_wait3A_137 : memref<1x200xi32, #tpu.memory_space<vmem>> -> memref<200xi32, #tpu.memory_space<vmem>>
      %dma_wait3A_139 = tpu.memref_slice %arg2[%mul3A_130] : memref<819200xi32, #tpu.memory_space<hbm>> -> memref<200xi32, #tpu.memory_space<hbm>>
      tpu.wait_dma2 semaphore(%arg7 : memref<!tpu.dma_semaphore, #tpu.memory_space<semaphore_mem>>) src(%dma_wait3A_139 : memref<200xi32, #tpu.memory_space<hbm>>) dst(%dma_wait3A_138 : memref<200xi32, #tpu.memory_space<vmem>>)
      %dma_start3A_140 = arith.constant 0 : i32
      %dma_start3A_141 = arith.constant 0 : i32
      %dma_start3A_142 = arith.constant 0 : i32
      %dma_start3A_143 = arith.constant 0 : i32
      %dma_start3A_144 = tpu.memref_slice %arg6[%dma_start3A_141, %dma_start3A_142, %dma_start3A_143] : memref<4x200x64xf32, #tpu.memory_space<vmem>> -> memref<1x200x64xf32, #tpu.memory_space<vmem>>
      %dma_start3A_145 = tpu.memref_squeeze %dma_start3A_144 : memref<1x200x64xf32, #tpu.memory_space<vmem>> -> memref<200x64xf32, #tpu.memory_space<vmem>>
      %dma_start3A_146 = arith.constant 0 : i32
      %dma_start3A_147 = tpu.memref_slice %arg5[%dma_start3A_140, %dma_start3A_146] : memref<4x200xi32, #tpu.memory_space<vmem>> -> memref<1x200xi32, #tpu.memory_space<vmem>>
      %dma_start3A_148 = tpu.memref_squeeze %dma_start3A_147 : memref<1x200xi32, #tpu.memory_space<vmem>> -> memref<200xi32, #tpu.memory_space<vmem>>
      %dma_start3A_149 = arith.constant 0 : i32
      %dma_start3A_150 = arith.constant 0 : i32
      %dma_start3A_151 = tpu.memref_slice %arg3[%dma_start3A_149, %dma_start3A_150] : memref<1000000x64xf32, #tpu.memory_space<hbm>> -> memref<1000000x64xf32, #tpu.memory_space<hbm>>
      tpu.enqueue_indirect_dma source(%dma_start3A_151 : memref<1000000x64xf32, #tpu.memory_space<hbm>>) target(%dma_start3A_145 : memref<200x64xf32, #tpu.memory_space<vmem>>) offsets(%dma_start3A_148 : memref<200xi32, #tpu.memory_space<vmem>>) semaphore(%arg11 : memref<!tpu.dma_semaphore, #tpu.memory_space<semaphore_mem>>)
      %gt3A_152 = arith.constant 0 : i32
      %gt3A_153 = arith.cmpi sgt, %scan3A_126, %gt3A_152 : i32
      %convert_element_type3A_154 = arith.extui %gt3A_153 : i1 to i32
      %cond3A_155 = arith.constant 0 : i32
      %cond3A_156 = arith.cmpi ne, %convert_element_type3A_154, %cond3A_155 : i32
      scf.if %cond3A_156 {
        %dma_wait3A_391 = arith.constant 1 : i32
        %dma_wait3A_392 = arith.constant 0 : i32
        %dma_wait3A_393 = arith.constant 0 : i32
        %dma_wait3A_394 = tpu.memref_slice %arg6[%dma_wait3A_391, %dma_wait3A_392, %dma_wait3A_393] : memref<4x200x64xf32, #tpu.memory_space<vmem>> -> memref<1x200x64xf32, #tpu.memory_space<vmem>>
        %dma_wait3A_395 = tpu.memref_squeeze %dma_wait3A_394 : memref<1x200x64xf32, #tpu.memory_space<vmem>> -> memref<200x64xf32, #tpu.memory_space<vmem>>
        %dma_wait3A_396 = arith.constant 0 : i32
        %dma_wait3A_397 = arith.constant 0 : i32
        %dma_wait3A_398 = tpu.memref_slice %arg4[%mul3A_2, %dma_wait3A_396, %dma_wait3A_397] : memref<4096x200x64xf32, #tpu.memory_space<hbm>> -> memref<1x200x64xf32, #tpu.memory_space<hbm>>
        %dma_wait3A_399 = tpu.memref_squeeze %dma_wait3A_398 : memref<1x200x64xf32, #tpu.memory_space<hbm>> -> memref<200x64xf32, #tpu.memory_space<hbm>>
        %dma_wait3A_400 = arith.constant 0 : i32
        %dma_wait3A_401 = arith.constant 0 : i32
        %dma_wait3A_402 = tpu.memref_slice %arg4[%mul3A_2, %dma_wait3A_400, %dma_wait3A_401] : memref<4096x200x64xf32, #tpu.memory_space<hbm>> -> memref<1x200x64xf32, #tpu.memory_space<hbm>>
        %dma_wait3A_403 = tpu.memref_squeeze %dma_wait3A_402 : memref<1x200x64xf32, #tpu.memory_space<hbm>> -> memref<200x64xf32, #tpu.memory_space<hbm>>
        %dma_wait3A_404 = arith.constant 0 : i32
        %dma_wait3A_405 = arith.constant 0 : i32
        %dma_wait3A_406 = tpu.memref_slice %arg6[%dma_wait3A_391, %dma_wait3A_404, %dma_wait3A_405] : memref<4x200x64xf32, #tpu.memory_space<vmem>> -> memref<1x200x64xf32, #tpu.memory_space<vmem>>
        %dma_wait3A_407 = tpu.memref_squeeze %dma_wait3A_406 : memref<1x200x64xf32, #tpu.memory_space<vmem>> -> memref<200x64xf32, #tpu.memory_space<vmem>>
        tpu.wait_dma2 semaphore(%arg16 : memref<!tpu.dma_semaphore, #tpu.memory_space<semaphore_mem>>) src(%dma_wait3A_407 : memref<200x64xf32, #tpu.memory_space<vmem>>) dst(%dma_wait3A_403 : memref<200x64xf32, #tpu.memory_space<hbm>>)
      } else {
      }
      %mul3A_157 = arith.constant 200 : i32
      %mul3A_158 = arith.muli %mul3A_2, %mul3A_157 : i32
      %dma_wait3A_159 = arith.constant 1 : i32
      %dma_wait3A_160 = arith.constant 0 : i32
      %dma_wait3A_161 = tpu.memref_slice %arg5[%dma_wait3A_159, %dma_wait3A_160] : memref<4x200xi32, #tpu.memory_space<vmem>> -> memref<1x200xi32, #tpu.memory_space<vmem>>
      %dma_wait3A_162 = tpu.memref_squeeze %dma_wait3A_161 : memref<1x200xi32, #tpu.memory_space<vmem>> -> memref<200xi32, #tpu.memory_space<vmem>>
      %dma_wait3A_163 = tpu.memref_slice %arg2[%mul3A_158] : memref<819200xi32, #tpu.memory_space<hbm>> -> memref<200xi32, #tpu.memory_space<hbm>>
      %dma_wait3A_164 = arith.constant 0 : i32
      %dma_wait3A_165 = tpu.memref_slice %arg5[%dma_wait3A_159, %dma_wait3A_164] : memref<4x200xi32, #tpu.memory_space<vmem>> -> memref<1x200xi32, #tpu.memory_space<vmem>>
      %dma_wait3A_166 = tpu.memref_squeeze %dma_wait3A_165 : memref<1x200xi32, #tpu.memory_space<vmem>> -> memref<200xi32, #tpu.memory_space<vmem>>
      %dma_wait3A_167 = tpu.memref_slice %arg2[%mul3A_158] : memref<819200xi32, #tpu.memory_space<hbm>> -> memref<200xi32, #tpu.memory_space<hbm>>
      tpu.wait_dma2 semaphore(%arg8 : memref<!tpu.dma_semaphore, #tpu.memory_space<semaphore_mem>>) src(%dma_wait3A_167 : memref<200xi32, #tpu.memory_space<hbm>>) dst(%dma_wait3A_166 : memref<200xi32, #tpu.memory_space<vmem>>)
      %dma_start3A_168 = arith.constant 1 : i32
      %dma_start3A_169 = arith.constant 1 : i32
      %dma_start3A_170 = arith.constant 0 : i32
      %dma_start3A_171 = arith.constant 0 : i32
      %dma_start3A_172 = tpu.memref_slice %arg6[%dma_start3A_169, %dma_start3A_170, %dma_start3A_171] : memref<4x200x64xf32, #tpu.memory_space<vmem>> -> memref<1x200x64xf32, #tpu.memory_space<vmem>>
      %dma_start3A_173 = tpu.memref_squeeze %dma_start3A_172 : memref<1x200x64xf32, #tpu.memory_space<vmem>> -> memref<200x64xf32, #tpu.memory_space<vmem>>
      %dma_start3A_174 = arith.constant 0 : i32
      %dma_start3A_175 = tpu.memref_slice %arg5[%dma_start3A_168, %dma_start3A_174] : memref<4x200xi32, #tpu.memory_space<vmem>> -> memref<1x200xi32, #tpu.memory_space<vmem>>
      %dma_start3A_176 = tpu.memref_squeeze %dma_start3A_175 : memref<1x200xi32, #tpu.memory_space<vmem>> -> memref<200xi32, #tpu.memory_space<vmem>>
      %dma_start3A_177 = arith.constant 0 : i32
      %dma_start3A_178 = arith.constant 0 : i32
      %dma_start3A_179 = tpu.memref_slice %arg3[%dma_start3A_177, %dma_start3A_178] : memref<1000000x64xf32, #tpu.memory_space<hbm>> -> memref<1000000x64xf32, #tpu.memory_space<hbm>>
      tpu.enqueue_indirect_dma source(%dma_start3A_179 : memref<1000000x64xf32, #tpu.memory_space<hbm>>) target(%dma_start3A_173 : memref<200x64xf32, #tpu.memory_space<vmem>>) offsets(%dma_start3A_176 : memref<200xi32, #tpu.memory_space<vmem>>) semaphore(%arg12 : memref<!tpu.dma_semaphore, #tpu.memory_space<semaphore_mem>>)
      %gt3A_180 = arith.constant 0 : i32
      %gt3A_181 = arith.cmpi sgt, %scan3A_126, %gt3A_180 : i32
      %convert_element_type3A_182 = arith.extui %gt3A_181 : i1 to i32
      %cond3A_183 = arith.constant 0 : i32
      %cond3A_184 = arith.cmpi ne, %convert_element_type3A_182, %cond3A_183 : i32
      scf.if %cond3A_184 {
        %dma_wait3A_391 = arith.constant 2 : i32
        %dma_wait3A_392 = arith.constant 0 : i32
        %dma_wait3A_393 = arith.constant 0 : i32
        %dma_wait3A_394 = tpu.memref_slice %arg6[%dma_wait3A_391, %dma_wait3A_392, %dma_wait3A_393] : memref<4x200x64xf32, #tpu.memory_space<vmem>> -> memref<1x200x64xf32, #tpu.memory_space<vmem>>
        %dma_wait3A_395 = tpu.memref_squeeze %dma_wait3A_394 : memref<1x200x64xf32, #tpu.memory_space<vmem>> -> memref<200x64xf32, #tpu.memory_space<vmem>>
        %dma_wait3A_396 = arith.constant 0 : i32
        %dma_wait3A_397 = arith.constant 0 : i32
        %dma_wait3A_398 = tpu.memref_slice %arg4[%mul3A_2, %dma_wait3A_396, %dma_wait3A_397] : memref<4096x200x64xf32, #tpu.memory_space<hbm>> -> memref<1x200x64xf32, #tpu.memory_space<hbm>>
        %dma_wait3A_399 = tpu.memref_squeeze %dma_wait3A_398 : memref<1x200x64xf32, #tpu.memory_space<hbm>> -> memref<200x64xf32, #tpu.memory_space<hbm>>
        %dma_wait3A_400 = arith.constant 0 : i32
        %dma_wait3A_401 = arith.constant 0 : i32
        %dma_wait3A_402 = tpu.memref_slice %arg4[%mul3A_2, %dma_wait3A_400, %dma_wait3A_401] : memref<4096x200x64xf32, #tpu.memory_space<hbm>> -> memref<1x200x64xf32, #tpu.memory_space<hbm>>
        %dma_wait3A_403 = tpu.memref_squeeze %dma_wait3A_402 : memref<1x200x64xf32, #tpu.memory_space<hbm>> -> memref<200x64xf32, #tpu.memory_space<hbm>>
        %dma_wait3A_404 = arith.constant 0 : i32
        %dma_wait3A_405 = arith.constant 0 : i32
        %dma_wait3A_406 = tpu.memref_slice %arg6[%dma_wait3A_391, %dma_wait3A_404, %dma_wait3A_405] : memref<4x200x64xf32, #tpu.memory_space<vmem>> -> memref<1x200x64xf32, #tpu.memory_space<vmem>>
        %dma_wait3A_407 = tpu.memref_squeeze %dma_wait3A_406 : memref<1x200x64xf32, #tpu.memory_space<vmem>> -> memref<200x64xf32, #tpu.memory_space<vmem>>
        tpu.wait_dma2 semaphore(%arg17 : memref<!tpu.dma_semaphore, #tpu.memory_space<semaphore_mem>>) src(%dma_wait3A_407 : memref<200x64xf32, #tpu.memory_space<vmem>>) dst(%dma_wait3A_403 : memref<200x64xf32, #tpu.memory_space<hbm>>)
      } else {
      }
      %mul3A_185 = arith.constant 200 : i32
      %mul3A_186 = arith.muli %mul3A_2, %mul3A_185 : i32
      %dma_wait3A_187 = arith.constant 2 : i32
      %dma_wait3A_188 = arith.constant 0 : i32
      %dma_wait3A_189 = tpu.memref_slice %arg5[%dma_wait3A_187, %dma_wait3A_188] : memref<4x200xi32, #tpu.memory_space<vmem>> -> memref<1x200xi32, #tpu.memory_space<vmem>>
      %dma_wait3A_190 = tpu.memref_squeeze %dma_wait3A_189 : memref<1x200xi32, #tpu.memory_space<vmem>> -> memref<200xi32, #tpu.memory_space<vmem>>
      %dma_wait3A_191 = tpu.memref_slice %arg2[%mul3A_186] : memref<819200xi32, #tpu.memory_space<hbm>> -> memref<200xi32, #tpu.memory_space<hbm>>
      %dma_wait3A_192 = arith.constant 0 : i32
      %dma_wait3A_193 = tpu.memref_slice %arg5[%dma_wait3A_187, %dma_wait3A_192] : memref<4x200xi32, #tpu.memory_space<vmem>> -> memref<1x200xi32, #tpu.memory_space<vmem>>
      %dma_wait3A_194 = tpu.memref_squeeze %dma_wait3A_193 : memref<1x200xi32, #tpu.memory_space<vmem>> -> memref<200xi32, #tpu.memory_space<vmem>>
      %dma_wait3A_195 = tpu.memref_slice %arg2[%mul3A_186] : memref<819200xi32, #tpu.memory_space<hbm>> -> memref<200xi32, #tpu.memory_space<hbm>>
      tpu.wait_dma2 semaphore(%arg9 : memref<!tpu.dma_semaphore, #tpu.memory_space<semaphore_mem>>) src(%dma_wait3A_195 : memref<200xi32, #tpu.memory_space<hbm>>) dst(%dma_wait3A_194 : memref<200xi32, #tpu.memory_space<vmem>>)
      %dma_start3A_196 = arith.constant 2 : i32
      %dma_start3A_197 = arith.constant 2 : i32
      %dma_start3A_198 = arith.constant 0 : i32
      %dma_start3A_199 = arith.constant 0 : i32
      %dma_start3A_200 = tpu.memref_slice %arg6[%dma_start3A_197, %dma_start3A_198, %dma_start3A_199] : memref<4x200x64xf32, #tpu.memory_space<vmem>> -> memref<1x200x64xf32, #tpu.memory_space<vmem>>
      %dma_start3A_201 = tpu.memref_squeeze %dma_start3A_200 : memref<1x200x64xf32, #tpu.memory_space<vmem>> -> memref<200x64xf32, #tpu.memory_space<vmem>>
      %dma_start3A_202 = arith.constant 0 : i32
      %dma_start3A_203 = tpu.memref_slice %arg5[%dma_start3A_196, %dma_start3A_202] : memref<4x200xi32, #tpu.memory_space<vmem>> -> memref<1x200xi32, #tpu.memory_space<vmem>>
      %dma_start3A_204 = tpu.memref_squeeze %dma_start3A_203 : memref<1x200xi32, #tpu.memory_space<vmem>> -> memref<200xi32, #tpu.memory_space<vmem>>
      %dma_start3A_205 = arith.constant 0 : i32
      %dma_start3A_206 = arith.constant 0 : i32
      %dma_start3A_207 = tpu.memref_slice %arg3[%dma_start3A_205, %dma_start3A_206] : memref<1000000x64xf32, #tpu.memory_space<hbm>> -> memref<1000000x64xf32, #tpu.memory_space<hbm>>
      tpu.enqueue_indirect_dma source(%dma_start3A_207 : memref<1000000x64xf32, #tpu.memory_space<hbm>>) target(%dma_start3A_201 : memref<200x64xf32, #tpu.memory_space<vmem>>) offsets(%dma_start3A_204 : memref<200xi32, #tpu.memory_space<vmem>>) semaphore(%arg13 : memref<!tpu.dma_semaphore, #tpu.memory_space<semaphore_mem>>)
      %gt3A_208 = arith.constant 0 : i32
      %gt3A_209 = arith.cmpi sgt, %scan3A_126, %gt3A_208 : i32
      %convert_element_type3A_210 = arith.extui %gt3A_209 : i1 to i32
      %cond3A_211 = arith.constant 0 : i32
      %cond3A_212 = arith.cmpi ne, %convert_element_type3A_210, %cond3A_211 : i32
      scf.if %cond3A_212 {
        %dma_wait3A_391 = arith.constant 3 : i32
        %dma_wait3A_392 = arith.constant 0 : i32
        %dma_wait3A_393 = arith.constant 0 : i32
        %dma_wait3A_394 = tpu.memref_slice %arg6[%dma_wait3A_391, %dma_wait3A_392, %dma_wait3A_393] : memref<4x200x64xf32, #tpu.memory_space<vmem>> -> memref<1x200x64xf32, #tpu.memory_space<vmem>>
        %dma_wait3A_395 = tpu.memref_squeeze %dma_wait3A_394 : memref<1x200x64xf32, #tpu.memory_space<vmem>> -> memref<200x64xf32, #tpu.memory_space<vmem>>
        %dma_wait3A_396 = arith.constant 0 : i32
        %dma_wait3A_397 = arith.constant 0 : i32
        %dma_wait3A_398 = tpu.memref_slice %arg4[%mul3A_2, %dma_wait3A_396, %dma_wait3A_397] : memref<4096x200x64xf32, #tpu.memory_space<hbm>> -> memref<1x200x64xf32, #tpu.memory_space<hbm>>
        %dma_wait3A_399 = tpu.memref_squeeze %dma_wait3A_398 : memref<1x200x64xf32, #tpu.memory_space<hbm>> -> memref<200x64xf32, #tpu.memory_space<hbm>>
        %dma_wait3A_400 = arith.constant 0 : i32
        %dma_wait3A_401 = arith.constant 0 : i32
        %dma_wait3A_402 = tpu.memref_slice %arg4[%mul3A_2, %dma_wait3A_400, %dma_wait3A_401] : memref<4096x200x64xf32, #tpu.memory_space<hbm>> -> memref<1x200x64xf32, #tpu.memory_space<hbm>>
        %dma_wait3A_403 = tpu.memref_squeeze %dma_wait3A_402 : memref<1x200x64xf32, #tpu.memory_space<hbm>> -> memref<200x64xf32, #tpu.memory_space<hbm>>
        %dma_wait3A_404 = arith.constant 0 : i32
        %dma_wait3A_405 = arith.constant 0 : i32
        %dma_wait3A_406 = tpu.memref_slice %arg6[%dma_wait3A_391, %dma_wait3A_404, %dma_wait3A_405] : memref<4x200x64xf32, #tpu.memory_space<vmem>> -> memref<1x200x64xf32, #tpu.memory_space<vmem>>
        %dma_wait3A_407 = tpu.memref_squeeze %dma_wait3A_406 : memref<1x200x64xf32, #tpu.memory_space<vmem>> -> memref<200x64xf32, #tpu.memory_space<vmem>>
        tpu.wait_dma2 semaphore(%arg18 : memref<!tpu.dma_semaphore, #tpu.memory_space<semaphore_mem>>) src(%dma_wait3A_407 : memref<200x64xf32, #tpu.memory_space<vmem>>) dst(%dma_wait3A_403 : memref<200x64xf32, #tpu.memory_space<hbm>>)
      } else {
      }
      %mul3A_213 = arith.constant 200 : i32
      %mul3A_214 = arith.muli %mul3A_2, %mul3A_213 : i32
      %dma_wait3A_215 = arith.constant 3 : i32
      %dma_wait3A_216 = arith.constant 0 : i32
      %dma_wait3A_217 = tpu.memref_slice %arg5[%dma_wait3A_215, %dma_wait3A_216] : memref<4x200xi32, #tpu.memory_space<vmem>> -> memref<1x200xi32, #tpu.memory_space<vmem>>
      %dma_wait3A_218 = tpu.memref_squeeze %dma_wait3A_217 : memref<1x200xi32, #tpu.memory_space<vmem>> -> memref<200xi32, #tpu.memory_space<vmem>>
      %dma_wait3A_219 = tpu.memref_slice %arg2[%mul3A_214] : memref<819200xi32, #tpu.memory_space<hbm>> -> memref<200xi32, #tpu.memory_space<hbm>>
      %dma_wait3A_220 = arith.constant 0 : i32
      %dma_wait3A_221 = tpu.memref_slice %arg5[%dma_wait3A_215, %dma_wait3A_220] : memref<4x200xi32, #tpu.memory_space<vmem>> -> memref<1x200xi32, #tpu.memory_space<vmem>>
      %dma_wait3A_222 = tpu.memref_squeeze %dma_wait3A_221 : memref<1x200xi32, #tpu.memory_space<vmem>> -> memref<200xi32, #tpu.memory_space<vmem>>
      %dma_wait3A_223 = tpu.memref_slice %arg2[%mul3A_214] : memref<819200xi32, #tpu.memory_space<hbm>> -> memref<200xi32, #tpu.memory_space<hbm>>
      tpu.wait_dma2 semaphore(%arg10 : memref<!tpu.dma_semaphore, #tpu.memory_space<semaphore_mem>>) src(%dma_wait3A_223 : memref<200xi32, #tpu.memory_space<hbm>>) dst(%dma_wait3A_222 : memref<200xi32, #tpu.memory_space<vmem>>)
      %dma_start3A_224 = arith.constant 3 : i32
      %dma_start3A_225 = arith.constant 3 : i32
      %dma_start3A_226 = arith.constant 0 : i32
      %dma_start3A_227 = arith.constant 0 : i32
      %dma_start3A_228 = tpu.memref_slice %arg6[%dma_start3A_225, %dma_start3A_226, %dma_start3A_227] : memref<4x200x64xf32, #tpu.memory_space<vmem>> -> memref<1x200x64xf32, #tpu.memory_space<vmem>>
      %dma_start3A_229 = tpu.memref_squeeze %dma_start3A_228 : memref<1x200x64xf32, #tpu.memory_space<vmem>> -> memref<200x64xf32, #tpu.memory_space<vmem>>
      %dma_start3A_230 = arith.constant 0 : i32
      %dma_start3A_231 = tpu.memref_slice %arg5[%dma_start3A_224, %dma_start3A_230] : memref<4x200xi32, #tpu.memory_space<vmem>> -> memref<1x200xi32, #tpu.memory_space<vmem>>
      %dma_start3A_232 = tpu.memref_squeeze %dma_start3A_231 : memref<1x200xi32, #tpu.memory_space<vmem>> -> memref<200xi32, #tpu.memory_space<vmem>>
      %dma_start3A_233 = arith.constant 0 : i32
      %dma_start3A_234 = arith.constant 0 : i32
      %dma_start3A_235 = tpu.memref_slice %arg3[%dma_start3A_233, %dma_start3A_234] : memref<1000000x64xf32, #tpu.memory_space<hbm>> -> memref<1000000x64xf32, #tpu.memory_space<hbm>>
      tpu.enqueue_indirect_dma source(%dma_start3A_235 : memref<1000000x64xf32, #tpu.memory_space<hbm>>) target(%dma_start3A_229 : memref<200x64xf32, #tpu.memory_space<vmem>>) offsets(%dma_start3A_232 : memref<200xi32, #tpu.memory_space<vmem>>) semaphore(%arg14 : memref<!tpu.dma_semaphore, #tpu.memory_space<semaphore_mem>>)
      %mul3A_236 = arith.constant 4 : i32
      %mul3A_237 = arith.muli %scan3A_126, %mul3A_236 : i32
      %add3A_238 = arith.addi %mul3A_2, %mul3A_237 : i32
      %add3A_239 = arith.constant 0 : i32
      %add3A_240 = arith.addi %add3A_238, %add3A_239 : i32
      %dma_wait3A_241 = arith.constant 0 : i32
      %dma_wait3A_242 = arith.constant 0 : i32
      %dma_wait3A_243 = arith.constant 0 : i32
      %dma_wait3A_244 = arith.constant 0 : i32
      %dma_wait3A_245 = tpu.memref_slice %arg6[%dma_wait3A_242, %dma_wait3A_243, %dma_wait3A_244] : memref<4x200x64xf32, #tpu.memory_space<vmem>> -> memref<1x200x64xf32, #tpu.memory_space<vmem>>
      %dma_wait3A_246 = tpu.memref_squeeze %dma_wait3A_245 : memref<1x200x64xf32, #tpu.memory_space<vmem>> -> memref<200x64xf32, #tpu.memory_space<vmem>>
      %dma_wait3A_247 = arith.constant 0 : i32
      %dma_wait3A_248 = tpu.memref_slice %arg5[%dma_wait3A_241, %dma_wait3A_247] : memref<4x200xi32, #tpu.memory_space<vmem>> -> memref<1x200xi32, #tpu.memory_space<vmem>>
      %dma_wait3A_249 = tpu.memref_squeeze %dma_wait3A_248 : memref<1x200xi32, #tpu.memory_space<vmem>> -> memref<200xi32, #tpu.memory_space<vmem>>
      %dma_wait3A_250 = arith.constant 0 : i32
      %dma_wait3A_251 = arith.constant 0 : i32
      %dma_wait3A_252 = tpu.memref_slice %arg3[%dma_wait3A_250, %dma_wait3A_251] : memref<1000000x64xf32, #tpu.memory_space<hbm>> -> memref<1000000x64xf32, #tpu.memory_space<hbm>>
      tpu.wait_indirect_dma semaphore(%arg11 : memref<!tpu.dma_semaphore, #tpu.memory_space<semaphore_mem>>) src(%dma_wait3A_252 : memref<1000000x64xf32, #tpu.memory_space<hbm>>) dst(%dma_wait3A_246 : memref<200x64xf32, #tpu.memory_space<vmem>>)
      %dma_start3A_253 = arith.constant 0 : i32
      %dma_start3A_254 = arith.constant 0 : i32
      %dma_start3A_255 = arith.constant 0 : i32
      %dma_start3A_256 = tpu.memref_slice %arg6[%dma_start3A_253, %dma_start3A_254, %dma_start3A_255] : memref<4x200x64xf32, #tpu.memory_space<vmem>> -> memref<1x200x64xf32, #tpu.memory_space<vmem>>
      %dma_start3A_257 = tpu.memref_squeeze %dma_start3A_256 : memref<1x200x64xf32, #tpu.memory_space<vmem>> -> memref<200x64xf32, #tpu.memory_space<vmem>>
      %dma_start3A_258 = arith.constant 0 : i32
      %dma_start3A_259 = arith.constant 0 : i32
      %dma_start3A_260 = tpu.memref_slice %arg4[%add3A_240, %dma_start3A_258, %dma_start3A_259] : memref<4096x200x64xf32, #tpu.memory_space<hbm>> -> memref<1x200x64xf32, #tpu.memory_space<hbm>>
      %dma_start3A_261 = tpu.memref_squeeze %dma_start3A_260 : memref<1x200x64xf32, #tpu.memory_space<hbm>> -> memref<200x64xf32, #tpu.memory_space<hbm>>
      %dma_start3A_262 = arith.constant 0 : i32
      %dma_start3A_263 = arith.constant 0 : i32
      %dma_start3A_264 = tpu.memref_slice %arg4[%add3A_240, %dma_start3A_262, %dma_start3A_263] : memref<4096x200x64xf32, #tpu.memory_space<hbm>> -> memref<1x200x64xf32, #tpu.memory_space<hbm>>
      %dma_start3A_265 = tpu.memref_squeeze %dma_start3A_264 : memref<1x200x64xf32, #tpu.memory_space<hbm>> -> memref<200x64xf32, #tpu.memory_space<hbm>>
      %dma_start3A_266 = arith.constant 0 : i32
      %dma_start3A_267 = arith.constant 0 : i32
      %dma_start3A_268 = tpu.memref_slice %arg6[%dma_start3A_253, %dma_start3A_266, %dma_start3A_267] : memref<4x200x64xf32, #tpu.memory_space<vmem>> -> memref<1x200x64xf32, #tpu.memory_space<vmem>>
      %dma_start3A_269 = tpu.memref_squeeze %dma_start3A_268 : memref<1x200x64xf32, #tpu.memory_space<vmem>> -> memref<200x64xf32, #tpu.memory_space<vmem>>
      tpu.enqueue_dma source(%dma_start3A_269 : memref<200x64xf32, #tpu.memory_space<vmem>>) target(%dma_start3A_265 : memref<200x64xf32, #tpu.memory_space<hbm>>) target_semaphore(%arg15 : memref<!tpu.dma_semaphore, #tpu.memory_space<semaphore_mem>>)
      %lt3A = arith.constant 31 : i32
      %lt3A_270 = arith.cmpi slt, %scan3A_126, %lt3A : i32
      %convert_element_type3A_271 = arith.extui %lt3A_270 : i1 to i32
      %cond3A_272 = arith.constant 0 : i32
      %cond3A_273 = arith.cmpi ne, %convert_element_type3A_271, %cond3A_272 : i32
      scf.if %cond3A_273 {
        %add3A_391 = arith.constant 4 : i32
        %add3A_392 = arith.addi %add3A_240, %add3A_391 : i32
        %mul3A_393 = arith.constant 200 : i32
        %mul3A_394 = arith.muli %add3A_392, %mul3A_393 : i32
        %dma_start3A_395 = arith.constant 0 : i32
        %dma_start3A_396 = arith.constant 0 : i32
        %dma_start3A_397 = tpu.memref_slice %arg5[%dma_start3A_395, %dma_start3A_396] : memref<4x200xi32, #tpu.memory_space<vmem>> -> memref<1x200xi32, #tpu.memory_space<vmem>>
        %dma_start3A_398 = tpu.memref_squeeze %dma_start3A_397 : memref<1x200xi32, #tpu.memory_space<vmem>> -> memref<200xi32, #tpu.memory_space<vmem>>
        %dma_start3A_399 = tpu.memref_slice %arg2[%mul3A_394] : memref<819200xi32, #tpu.memory_space<hbm>> -> memref<200xi32, #tpu.memory_space<hbm>>
        %dma_start3A_400 = arith.constant 0 : i32
        %dma_start3A_401 = tpu.memref_slice %arg5[%dma_start3A_395, %dma_start3A_400] : memref<4x200xi32, #tpu.memory_space<vmem>> -> memref<1x200xi32, #tpu.memory_space<vmem>>
        %dma_start3A_402 = tpu.memref_squeeze %dma_start3A_401 : memref<1x200xi32, #tpu.memory_space<vmem>> -> memref<200xi32, #tpu.memory_space<vmem>>
        %dma_start3A_403 = tpu.memref_slice %arg2[%mul3A_394] : memref<819200xi32, #tpu.memory_space<hbm>> -> memref<200xi32, #tpu.memory_space<hbm>>
        tpu.enqueue_dma source(%dma_start3A_403 : memref<200xi32, #tpu.memory_space<hbm>>) target(%dma_start3A_402 : memref<200xi32, #tpu.memory_space<vmem>>) target_semaphore(%arg7 : memref<!tpu.dma_semaphore, #tpu.memory_space<semaphore_mem>>)
      } else {
      }
      %mul3A_274 = arith.constant 4 : i32
      %mul3A_275 = arith.muli %scan3A_126, %mul3A_274 : i32
      %add3A_276 = arith.addi %mul3A_2, %mul3A_275 : i32
      %add3A_277 = arith.constant 1 : i32
      %add3A_278 = arith.addi %add3A_276, %add3A_277 : i32
      %dma_wait3A_279 = arith.constant 1 : i32
      %dma_wait3A_280 = arith.constant 1 : i32
      %dma_wait3A_281 = arith.constant 0 : i32
      %dma_wait3A_282 = arith.constant 0 : i32
      %dma_wait3A_283 = tpu.memref_slice %arg6[%dma_wait3A_280, %dma_wait3A_281, %dma_wait3A_282] : memref<4x200x64xf32, #tpu.memory_space<vmem>> -> memref<1x200x64xf32, #tpu.memory_space<vmem>>
      %dma_wait3A_284 = tpu.memref_squeeze %dma_wait3A_283 : memref<1x200x64xf32, #tpu.memory_space<vmem>> -> memref<200x64xf32, #tpu.memory_space<vmem>>
      %dma_wait3A_285 = arith.constant 0 : i32
      %dma_wait3A_286 = tpu.memref_slice %arg5[%dma_wait3A_279, %dma_wait3A_285] : memref<4x200xi32, #tpu.memory_space<vmem>> -> memref<1x200xi32, #tpu.memory_space<vmem>>
      %dma_wait3A_287 = tpu.memref_squeeze %dma_wait3A_286 : memref<1x200xi32, #tpu.memory_space<vmem>> -> memref<200xi32, #tpu.memory_space<vmem>>
      %dma_wait3A_288 = arith.constant 0 : i32
      %dma_wait3A_289 = arith.constant 0 : i32
      %dma_wait3A_290 = tpu.memref_slice %arg3[%dma_wait3A_288, %dma_wait3A_289] : memref<1000000x64xf32, #tpu.memory_space<hbm>> -> memref<1000000x64xf32, #tpu.memory_space<hbm>>
      tpu.wait_indirect_dma semaphore(%arg12 : memref<!tpu.dma_semaphore, #tpu.memory_space<semaphore_mem>>) src(%dma_wait3A_290 : memref<1000000x64xf32, #tpu.memory_space<hbm>>) dst(%dma_wait3A_284 : memref<200x64xf32, #tpu.memory_space<vmem>>)
      %dma_start3A_291 = arith.constant 1 : i32
      %dma_start3A_292 = arith.constant 0 : i32
      %dma_start3A_293 = arith.constant 0 : i32
      %dma_start3A_294 = tpu.memref_slice %arg6[%dma_start3A_291, %dma_start3A_292, %dma_start3A_293] : memref<4x200x64xf32, #tpu.memory_space<vmem>> -> memref<1x200x64xf32, #tpu.memory_space<vmem>>
      %dma_start3A_295 = tpu.memref_squeeze %dma_start3A_294 : memref<1x200x64xf32, #tpu.memory_space<vmem>> -> memref<200x64xf32, #tpu.memory_space<vmem>>
      %dma_start3A_296 = arith.constant 0 : i32
      %dma_start3A_297 = arith.constant 0 : i32
      %dma_start3A_298 = tpu.memref_slice %arg4[%add3A_278, %dma_start3A_296, %dma_start3A_297] : memref<4096x200x64xf32, #tpu.memory_space<hbm>> -> memref<1x200x64xf32, #tpu.memory_space<hbm>>
      %dma_start3A_299 = tpu.memref_squeeze %dma_start3A_298 : memref<1x200x64xf32, #tpu.memory_space<hbm>> -> memref<200x64xf32, #tpu.memory_space<hbm>>
      %dma_start3A_300 = arith.constant 0 : i32
      %dma_start3A_301 = arith.constant 0 : i32
      %dma_start3A_302 = tpu.memref_slice %arg4[%add3A_278, %dma_start3A_300, %dma_start3A_301] : memref<4096x200x64xf32, #tpu.memory_space<hbm>> -> memref<1x200x64xf32, #tpu.memory_space<hbm>>
      %dma_start3A_303 = tpu.memref_squeeze %dma_start3A_302 : memref<1x200x64xf32, #tpu.memory_space<hbm>> -> memref<200x64xf32, #tpu.memory_space<hbm>>
      %dma_start3A_304 = arith.constant 0 : i32
      %dma_start3A_305 = arith.constant 0 : i32
      %dma_start3A_306 = tpu.memref_slice %arg6[%dma_start3A_291, %dma_start3A_304, %dma_start3A_305] : memref<4x200x64xf32, #tpu.memory_space<vmem>> -> memref<1x200x64xf32, #tpu.memory_space<vmem>>
      %dma_start3A_307 = tpu.memref_squeeze %dma_start3A_306 : memref<1x200x64xf32, #tpu.memory_space<vmem>> -> memref<200x64xf32, #tpu.memory_space<vmem>>
      tpu.enqueue_dma source(%dma_start3A_307 : memref<200x64xf32, #tpu.memory_space<vmem>>) target(%dma_start3A_303 : memref<200x64xf32, #tpu.memory_space<hbm>>) target_semaphore(%arg16 : memref<!tpu.dma_semaphore, #tpu.memory_space<semaphore_mem>>)
      %lt3A_308 = arith.constant 31 : i32
      %lt3A_309 = arith.cmpi slt, %scan3A_126, %lt3A_308 : i32
      %convert_element_type3A_310 = arith.extui %lt3A_309 : i1 to i32
      %cond3A_311 = arith.constant 0 : i32
      %cond3A_312 = arith.cmpi ne, %convert_element_type3A_310, %cond3A_311 : i32
      scf.if %cond3A_312 {
        %add3A_391 = arith.constant 4 : i32
        %add3A_392 = arith.addi %add3A_278, %add3A_391 : i32
        %mul3A_393 = arith.constant 200 : i32
        %mul3A_394 = arith.muli %add3A_392, %mul3A_393 : i32
        %dma_start3A_395 = arith.constant 1 : i32
        %dma_start3A_396 = arith.constant 0 : i32
        %dma_start3A_397 = tpu.memref_slice %arg5[%dma_start3A_395, %dma_start3A_396] : memref<4x200xi32, #tpu.memory_space<vmem>> -> memref<1x200xi32, #tpu.memory_space<vmem>>
        %dma_start3A_398 = tpu.memref_squeeze %dma_start3A_397 : memref<1x200xi32, #tpu.memory_space<vmem>> -> memref<200xi32, #tpu.memory_space<vmem>>
        %dma_start3A_399 = tpu.memref_slice %arg2[%mul3A_394] : memref<819200xi32, #tpu.memory_space<hbm>> -> memref<200xi32, #tpu.memory_space<hbm>>
        %dma_start3A_400 = arith.constant 0 : i32
        %dma_start3A_401 = tpu.memref_slice %arg5[%dma_start3A_395, %dma_start3A_400] : memref<4x200xi32, #tpu.memory_space<vmem>> -> memref<1x200xi32, #tpu.memory_space<vmem>>
        %dma_start3A_402 = tpu.memref_squeeze %dma_start3A_401 : memref<1x200xi32, #tpu.memory_space<vmem>> -> memref<200xi32, #tpu.memory_space<vmem>>
        %dma_start3A_403 = tpu.memref_slice %arg2[%mul3A_394] : memref<819200xi32, #tpu.memory_space<hbm>> -> memref<200xi32, #tpu.memory_space<hbm>>
        tpu.enqueue_dma source(%dma_start3A_403 : memref<200xi32, #tpu.memory_space<hbm>>) target(%dma_start3A_402 : memref<200xi32, #tpu.memory_space<vmem>>) target_semaphore(%arg8 : memref<!tpu.dma_semaphore, #tpu.memory_space<semaphore_mem>>)
      } else {
      }
      %mul3A_313 = arith.constant 4 : i32
      %mul3A_314 = arith.muli %scan3A_126, %mul3A_313 : i32
      %add3A_315 = arith.addi %mul3A_2, %mul3A_314 : i32
      %add3A_316 = arith.constant 2 : i32
      %add3A_317 = arith.addi %add3A_315, %add3A_316 : i32
      %dma_wait3A_318 = arith.constant 2 : i32
      %dma_wait3A_319 = arith.constant 2 : i32
      %dma_wait3A_320 = arith.constant 0 : i32
      %dma_wait3A_321 = arith.constant 0 : i32
      %dma_wait3A_322 = tpu.memref_slice %arg6[%dma_wait3A_319, %dma_wait3A_320, %dma_wait3A_321] : memref<4x200x64xf32, #tpu.memory_space<vmem>> -> memref<1x200x64xf32, #tpu.memory_space<vmem>>
      %dma_wait3A_323 = tpu.memref_squeeze %dma_wait3A_322 : memref<1x200x64xf32, #tpu.memory_space<vmem>> -> memref<200x64xf32, #tpu.memory_space<vmem>>
      %dma_wait3A_324 = arith.constant 0 : i32
      %dma_wait3A_325 = tpu.memref_slice %arg5[%dma_wait3A_318, %dma_wait3A_324] : memref<4x200xi32, #tpu.memory_space<vmem>> -> memref<1x200xi32, #tpu.memory_space<vmem>>
      %dma_wait3A_326 = tpu.memref_squeeze %dma_wait3A_325 : memref<1x200xi32, #tpu.memory_space<vmem>> -> memref<200xi32, #tpu.memory_space<vmem>>
      %dma_wait3A_327 = arith.constant 0 : i32
      %dma_wait3A_328 = arith.constant 0 : i32
      %dma_wait3A_329 = tpu.memref_slice %arg3[%dma_wait3A_327, %dma_wait3A_328] : memref<1000000x64xf32, #tpu.memory_space<hbm>> -> memref<1000000x64xf32, #tpu.memory_space<hbm>>
      tpu.wait_indirect_dma semaphore(%arg13 : memref<!tpu.dma_semaphore, #tpu.memory_space<semaphore_mem>>) src(%dma_wait3A_329 : memref<1000000x64xf32, #tpu.memory_space<hbm>>) dst(%dma_wait3A_323 : memref<200x64xf32, #tpu.memory_space<vmem>>)
      %dma_start3A_330 = arith.constant 2 : i32
      %dma_start3A_331 = arith.constant 0 : i32
      %dma_start3A_332 = arith.constant 0 : i32
      %dma_start3A_333 = tpu.memref_slice %arg6[%dma_start3A_330, %dma_start3A_331, %dma_start3A_332] : memref<4x200x64xf32, #tpu.memory_space<vmem>> -> memref<1x200x64xf32, #tpu.memory_space<vmem>>
      %dma_start3A_334 = tpu.memref_squeeze %dma_start3A_333 : memref<1x200x64xf32, #tpu.memory_space<vmem>> -> memref<200x64xf32, #tpu.memory_space<vmem>>
      %dma_start3A_335 = arith.constant 0 : i32
      %dma_start3A_336 = arith.constant 0 : i32
      %dma_start3A_337 = tpu.memref_slice %arg4[%add3A_317, %dma_start3A_335, %dma_start3A_336] : memref<4096x200x64xf32, #tpu.memory_space<hbm>> -> memref<1x200x64xf32, #tpu.memory_space<hbm>>
      %dma_start3A_338 = tpu.memref_squeeze %dma_start3A_337 : memref<1x200x64xf32, #tpu.memory_space<hbm>> -> memref<200x64xf32, #tpu.memory_space<hbm>>
      %dma_start3A_339 = arith.constant 0 : i32
      %dma_start3A_340 = arith.constant 0 : i32
      %dma_start3A_341 = tpu.memref_slice %arg4[%add3A_317, %dma_start3A_339, %dma_start3A_340] : memref<4096x200x64xf32, #tpu.memory_space<hbm>> -> memref<1x200x64xf32, #tpu.memory_space<hbm>>
      %dma_start3A_342 = tpu.memref_squeeze %dma_start3A_341 : memref<1x200x64xf32, #tpu.memory_space<hbm>> -> memref<200x64xf32, #tpu.memory_space<hbm>>
      %dma_start3A_343 = arith.constant 0 : i32
      %dma_start3A_344 = arith.constant 0 : i32
      %dma_start3A_345 = tpu.memref_slice %arg6[%dma_start3A_330, %dma_start3A_343, %dma_start3A_344] : memref<4x200x64xf32, #tpu.memory_space<vmem>> -> memref<1x200x64xf32, #tpu.memory_space<vmem>>
      %dma_start3A_346 = tpu.memref_squeeze %dma_start3A_345 : memref<1x200x64xf32, #tpu.memory_space<vmem>> -> memref<200x64xf32, #tpu.memory_space<vmem>>
      tpu.enqueue_dma source(%dma_start3A_346 : memref<200x64xf32, #tpu.memory_space<vmem>>) target(%dma_start3A_342 : memref<200x64xf32, #tpu.memory_space<hbm>>) target_semaphore(%arg17 : memref<!tpu.dma_semaphore, #tpu.memory_space<semaphore_mem>>)
      %lt3A_347 = arith.constant 31 : i32
      %lt3A_348 = arith.cmpi slt, %scan3A_126, %lt3A_347 : i32
      %convert_element_type3A_349 = arith.extui %lt3A_348 : i1 to i32
      %cond3A_350 = arith.constant 0 : i32
      %cond3A_351 = arith.cmpi ne, %convert_element_type3A_349, %cond3A_350 : i32
      scf.if %cond3A_351 {
        %add3A_391 = arith.constant 4 : i32
        %add3A_392 = arith.addi %add3A_317, %add3A_391 : i32
        %mul3A_393 = arith.constant 200 : i32
        %mul3A_394 = arith.muli %add3A_392, %mul3A_393 : i32
        %dma_start3A_395 = arith.constant 2 : i32
        %dma_start3A_396 = arith.constant 0 : i32
        %dma_start3A_397 = tpu.memref_slice %arg5[%dma_start3A_395, %dma_start3A_396] : memref<4x200xi32, #tpu.memory_space<vmem>> -> memref<1x200xi32, #tpu.memory_space<vmem>>
        %dma_start3A_398 = tpu.memref_squeeze %dma_start3A_397 : memref<1x200xi32, #tpu.memory_space<vmem>> -> memref<200xi32, #tpu.memory_space<vmem>>
        %dma_start3A_399 = tpu.memref_slice %arg2[%mul3A_394] : memref<819200xi32, #tpu.memory_space<hbm>> -> memref<200xi32, #tpu.memory_space<hbm>>
        %dma_start3A_400 = arith.constant 0 : i32
        %dma_start3A_401 = tpu.memref_slice %arg5[%dma_start3A_395, %dma_start3A_400] : memref<4x200xi32, #tpu.memory_space<vmem>> -> memref<1x200xi32, #tpu.memory_space<vmem>>
        %dma_start3A_402 = tpu.memref_squeeze %dma_start3A_401 : memref<1x200xi32, #tpu.memory_space<vmem>> -> memref<200xi32, #tpu.memory_space<vmem>>
        %dma_start3A_403 = tpu.memref_slice %arg2[%mul3A_394] : memref<819200xi32, #tpu.memory_space<hbm>> -> memref<200xi32, #tpu.memory_space<hbm>>
        tpu.enqueue_dma source(%dma_start3A_403 : memref<200xi32, #tpu.memory_space<hbm>>) target(%dma_start3A_402 : memref<200xi32, #tpu.memory_space<vmem>>) target_semaphore(%arg9 : memref<!tpu.dma_semaphore, #tpu.memory_space<semaphore_mem>>)
      } else {
      }
      %mul3A_352 = arith.constant 4 : i32
      %mul3A_353 = arith.muli %scan3A_126, %mul3A_352 : i32
      %add3A_354 = arith.addi %mul3A_2, %mul3A_353 : i32
      %add3A_355 = arith.constant 3 : i32
      %add3A_356 = arith.addi %add3A_354, %add3A_355 : i32
      %dma_wait3A_357 = arith.constant 3 : i32
      %dma_wait3A_358 = arith.constant 3 : i32
      %dma_wait3A_359 = arith.constant 0 : i32
      %dma_wait3A_360 = arith.constant 0 : i32
      %dma_wait3A_361 = tpu.memref_slice %arg6[%dma_wait3A_358, %dma_wait3A_359, %dma_wait3A_360] : memref<4x200x64xf32, #tpu.memory_space<vmem>> -> memref<1x200x64xf32, #tpu.memory_space<vmem>>
      %dma_wait3A_362 = tpu.memref_squeeze %dma_wait3A_361 : memref<1x200x64xf32, #tpu.memory_space<vmem>> -> memref<200x64xf32, #tpu.memory_space<vmem>>
      %dma_wait3A_363 = arith.constant 0 : i32
      %dma_wait3A_364 = tpu.memref_slice %arg5[%dma_wait3A_357, %dma_wait3A_363] : memref<4x200xi32, #tpu.memory_space<vmem>> -> memref<1x200xi32, #tpu.memory_space<vmem>>
      %dma_wait3A_365 = tpu.memref_squeeze %dma_wait3A_364 : memref<1x200xi32, #tpu.memory_space<vmem>> -> memref<200xi32, #tpu.memory_space<vmem>>
      %dma_wait3A_366 = arith.constant 0 : i32
      %dma_wait3A_367 = arith.constant 0 : i32
      %dma_wait3A_368 = tpu.memref_slice %arg3[%dma_wait3A_366, %dma_wait3A_367] : memref<1000000x64xf32, #tpu.memory_space<hbm>> -> memref<1000000x64xf32, #tpu.memory_space<hbm>>
      tpu.wait_indirect_dma semaphore(%arg14 : memref<!tpu.dma_semaphore, #tpu.memory_space<semaphore_mem>>) src(%dma_wait3A_368 : memref<1000000x64xf32, #tpu.memory_space<hbm>>) dst(%dma_wait3A_362 : memref<200x64xf32, #tpu.memory_space<vmem>>)
      %dma_start3A_369 = arith.constant 3 : i32
      %dma_start3A_370 = arith.constant 0 : i32
      %dma_start3A_371 = arith.constant 0 : i32
      %dma_start3A_372 = tpu.memref_slice %arg6[%dma_start3A_369, %dma_start3A_370, %dma_start3A_371] : memref<4x200x64xf32, #tpu.memory_space<vmem>> -> memref<1x200x64xf32, #tpu.memory_space<vmem>>
      %dma_start3A_373 = tpu.memref_squeeze %dma_start3A_372 : memref<1x200x64xf32, #tpu.memory_space<vmem>> -> memref<200x64xf32, #tpu.memory_space<vmem>>
      %dma_start3A_374 = arith.constant 0 : i32
      %dma_start3A_375 = arith.constant 0 : i32
      %dma_start3A_376 = tpu.memref_slice %arg4[%add3A_356, %dma_start3A_374, %dma_start3A_375] : memref<4096x200x64xf32, #tpu.memory_space<hbm>> -> memref<1x200x64xf32, #tpu.memory_space<hbm>>
      %dma_start3A_377 = tpu.memref_squeeze %dma_start3A_376 : memref<1x200x64xf32, #tpu.memory_space<hbm>> -> memref<200x64xf32, #tpu.memory_space<hbm>>
      %dma_start3A_378 = arith.constant 0 : i32
      %dma_start3A_379 = arith.constant 0 : i32
      %dma_start3A_380 = tpu.memref_slice %arg4[%add3A_356, %dma_start3A_378, %dma_start3A_379] : memref<4096x200x64xf32, #tpu.memory_space<hbm>> -> memref<1x200x64xf32, #tpu.memory_space<hbm>>
      %dma_start3A_381 = tpu.memref_squeeze %dma_start3A_380 : memref<1x200x64xf32, #tpu.memory_space<hbm>> -> memref<200x64xf32, #tpu.memory_space<hbm>>
      %dma_start3A_382 = arith.constant 0 : i32
      %dma_start3A_383 = arith.constant 0 : i32
      %dma_start3A_384 = tpu.memref_slice %arg6[%dma_start3A_369, %dma_start3A_382, %dma_start3A_383] : memref<4x200x64xf32, #tpu.memory_space<vmem>> -> memref<1x200x64xf32, #tpu.memory_space<vmem>>
      %dma_start3A_385 = tpu.memref_squeeze %dma_start3A_384 : memref<1x200x64xf32, #tpu.memory_space<vmem>> -> memref<200x64xf32, #tpu.memory_space<vmem>>
      tpu.enqueue_dma source(%dma_start3A_385 : memref<200x64xf32, #tpu.memory_space<vmem>>) target(%dma_start3A_381 : memref<200x64xf32, #tpu.memory_space<hbm>>) target_semaphore(%arg18 : memref<!tpu.dma_semaphore, #tpu.memory_space<semaphore_mem>>)
      %lt3A_386 = arith.constant 31 : i32
      %lt3A_387 = arith.cmpi slt, %scan3A_126, %lt3A_386 : i32
      %convert_element_type3A_388 = arith.extui %lt3A_387 : i1 to i32
      %cond3A_389 = arith.constant 0 : i32
      %cond3A_390 = arith.cmpi ne, %convert_element_type3A_388, %cond3A_389 : i32
      scf.if %cond3A_390 {
        %add3A_391 = arith.constant 4 : i32
        %add3A_392 = arith.addi %add3A_356, %add3A_391 : i32
        %mul3A_393 = arith.constant 200 : i32
        %mul3A_394 = arith.muli %add3A_392, %mul3A_393 : i32
        %dma_start3A_395 = arith.constant 3 : i32
        %dma_start3A_396 = arith.constant 0 : i32
        %dma_start3A_397 = tpu.memref_slice %arg5[%dma_start3A_395, %dma_start3A_396] : memref<4x200xi32, #tpu.memory_space<vmem>> -> memref<1x200xi32, #tpu.memory_space<vmem>>
        %dma_start3A_398 = tpu.memref_squeeze %dma_start3A_397 : memref<1x200xi32, #tpu.memory_space<vmem>> -> memref<200xi32, #tpu.memory_space<vmem>>
        %dma_start3A_399 = tpu.memref_slice %arg2[%mul3A_394] : memref<819200xi32, #tpu.memory_space<hbm>> -> memref<200xi32, #tpu.memory_space<hbm>>
        %dma_start3A_400 = arith.constant 0 : i32
        %dma_start3A_401 = tpu.memref_slice %arg5[%dma_start3A_395, %dma_start3A_400] : memref<4x200xi32, #tpu.memory_space<vmem>> -> memref<1x200xi32, #tpu.memory_space<vmem>>
        %dma_start3A_402 = tpu.memref_squeeze %dma_start3A_401 : memref<1x200xi32, #tpu.memory_space<vmem>> -> memref<200xi32, #tpu.memory_space<vmem>>
        %dma_start3A_403 = tpu.memref_slice %arg2[%mul3A_394] : memref<819200xi32, #tpu.memory_space<hbm>> -> memref<200xi32, #tpu.memory_space<hbm>>
        tpu.enqueue_dma source(%dma_start3A_403 : memref<200xi32, #tpu.memory_space<hbm>>) target(%dma_start3A_402 : memref<200xi32, #tpu.memory_space<vmem>>) target_semaphore(%arg10 : memref<!tpu.dma_semaphore, #tpu.memory_space<semaphore_mem>>)
      } else {
      }
    }
    %scan3A_58 = arith.constant 32 : i32
    %dma_wait3A = arith.constant 0 : i32
    %dma_wait3A_59 = arith.constant 0 : i32
    %dma_wait3A_60 = arith.constant 0 : i32
    %dma_wait3A_61 = tpu.memref_slice %arg6[%dma_wait3A, %dma_wait3A_59, %dma_wait3A_60] : memref<4x200x64xf32, #tpu.memory_space<vmem>> -> memref<1x200x64xf32, #tpu.memory_space<vmem>>
    %dma_wait3A_62 = tpu.memref_squeeze %dma_wait3A_61 : memref<1x200x64xf32, #tpu.memory_space<vmem>> -> memref<200x64xf32, #tpu.memory_space<vmem>>
    %dma_wait3A_63 = arith.constant 0 : i32
    %dma_wait3A_64 = arith.constant 0 : i32
    %dma_wait3A_65 = tpu.memref_slice %arg4[%mul3A_2, %dma_wait3A_63, %dma_wait3A_64] : memref<4096x200x64xf32, #tpu.memory_space<hbm>> -> memref<1x200x64xf32, #tpu.memory_space<hbm>>
    %dma_wait3A_66 = tpu.memref_squeeze %dma_wait3A_65 : memref<1x200x64xf32, #tpu.memory_space<hbm>> -> memref<200x64xf32, #tpu.memory_space<hbm>>
    %dma_wait3A_67 = arith.constant 0 : i32
    %dma_wait3A_68 = arith.constant 0 : i32
    %dma_wait3A_69 = tpu.memref_slice %arg4[%mul3A_2, %dma_wait3A_67, %dma_wait3A_68] : memref<4096x200x64xf32, #tpu.memory_space<hbm>> -> memref<1x200x64xf32, #tpu.memory_space<hbm>>
    %dma_wait3A_70 = tpu.memref_squeeze %dma_wait3A_69 : memref<1x200x64xf32, #tpu.memory_space<hbm>> -> memref<200x64xf32, #tpu.memory_space<hbm>>
    %dma_wait3A_71 = arith.constant 0 : i32
    %dma_wait3A_72 = arith.constant 0 : i32
    %dma_wait3A_73 = tpu.memref_slice %arg6[%dma_wait3A, %dma_wait3A_71, %dma_wait3A_72] : memref<4x200x64xf32, #tpu.memory_space<vmem>> -> memref<1x200x64xf32, #tpu.memory_space<vmem>>
    %dma_wait3A_74 = tpu.memref_squeeze %dma_wait3A_73 : memref<1x200x64xf32, #tpu.memory_space<vmem>> -> memref<200x64xf32, #tpu.memory_space<vmem>>
    tpu.wait_dma2 semaphore(%arg15 : memref<!tpu.dma_semaphore, #tpu.memory_space<semaphore_mem>>) src(%dma_wait3A_74 : memref<200x64xf32, #tpu.memory_space<vmem>>) dst(%dma_wait3A_70 : memref<200x64xf32, #tpu.memory_space<hbm>>)
    %dma_wait3A_75 = arith.constant 1 : i32
    %dma_wait3A_76 = arith.constant 0 : i32
    %dma_wait3A_77 = arith.constant 0 : i32
    %dma_wait3A_78 = tpu.memref_slice %arg6[%dma_wait3A_75, %dma_wait3A_76, %dma_wait3A_77] : memref<4x200x64xf32, #tpu.memory_space<vmem>> -> memref<1x200x64xf32, #tpu.memory_space<vmem>>
    %dma_wait3A_79 = tpu.memref_squeeze %dma_wait3A_78 : memref<1x200x64xf32, #tpu.memory_space<vmem>> -> memref<200x64xf32, #tpu.memory_space<vmem>>
    %dma_wait3A_80 = arith.constant 0 : i32
    %dma_wait3A_81 = arith.constant 0 : i32
    %dma_wait3A_82 = tpu.memref_slice %arg4[%mul3A_2, %dma_wait3A_80, %dma_wait3A_81] : memref<4096x200x64xf32, #tpu.memory_space<hbm>> -> memref<1x200x64xf32, #tpu.memory_space<hbm>>
    %dma_wait3A_83 = tpu.memref_squeeze %dma_wait3A_82 : memref<1x200x64xf32, #tpu.memory_space<hbm>> -> memref<200x64xf32, #tpu.memory_space<hbm>>
    %dma_wait3A_84 = arith.constant 0 : i32
    %dma_wait3A_85 = arith.constant 0 : i32
    %dma_wait3A_86 = tpu.memref_slice %arg4[%mul3A_2, %dma_wait3A_84, %dma_wait3A_85] : memref<4096x200x64xf32, #tpu.memory_space<hbm>> -> memref<1x200x64xf32, #tpu.memory_space<hbm>>
    %dma_wait3A_87 = tpu.memref_squeeze %dma_wait3A_86 : memref<1x200x64xf32, #tpu.memory_space<hbm>> -> memref<200x64xf32, #tpu.memory_space<hbm>>
    %dma_wait3A_88 = arith.constant 0 : i32
    %dma_wait3A_89 = arith.constant 0 : i32
    %dma_wait3A_90 = tpu.memref_slice %arg6[%dma_wait3A_75, %dma_wait3A_88, %dma_wait3A_89] : memref<4x200x64xf32, #tpu.memory_space<vmem>> -> memref<1x200x64xf32, #tpu.memory_space<vmem>>
    %dma_wait3A_91 = tpu.memref_squeeze %dma_wait3A_90 : memref<1x200x64xf32, #tpu.memory_space<vmem>> -> memref<200x64xf32, #tpu.memory_space<vmem>>
    tpu.wait_dma2 semaphore(%arg16 : memref<!tpu.dma_semaphore, #tpu.memory_space<semaphore_mem>>) src(%dma_wait3A_91 : memref<200x64xf32, #tpu.memory_space<vmem>>) dst(%dma_wait3A_87 : memref<200x64xf32, #tpu.memory_space<hbm>>)
    %dma_wait3A_92 = arith.constant 2 : i32
    %dma_wait3A_93 = arith.constant 0 : i32
    %dma_wait3A_94 = arith.constant 0 : i32
    %dma_wait3A_95 = tpu.memref_slice %arg6[%dma_wait3A_92, %dma_wait3A_93, %dma_wait3A_94] : memref<4x200x64xf32, #tpu.memory_space<vmem>> -> memref<1x200x64xf32, #tpu.memory_space<vmem>>
    %dma_wait3A_96 = tpu.memref_squeeze %dma_wait3A_95 : memref<1x200x64xf32, #tpu.memory_space<vmem>> -> memref<200x64xf32, #tpu.memory_space<vmem>>
    %dma_wait3A_97 = arith.constant 0 : i32
    %dma_wait3A_98 = arith.constant 0 : i32
    %dma_wait3A_99 = tpu.memref_slice %arg4[%mul3A_2, %dma_wait3A_97, %dma_wait3A_98] : memref<4096x200x64xf32, #tpu.memory_space<hbm>> -> memref<1x200x64xf32, #tpu.memory_space<hbm>>
    %dma_wait3A_100 = tpu.memref_squeeze %dma_wait3A_99 : memref<1x200x64xf32, #tpu.memory_space<hbm>> -> memref<200x64xf32, #tpu.memory_space<hbm>>
    %dma_wait3A_101 = arith.constant 0 : i32
    %dma_wait3A_102 = arith.constant 0 : i32
    %dma_wait3A_103 = tpu.memref_slice %arg4[%mul3A_2, %dma_wait3A_101, %dma_wait3A_102] : memref<4096x200x64xf32, #tpu.memory_space<hbm>> -> memref<1x200x64xf32, #tpu.memory_space<hbm>>
    %dma_wait3A_104 = tpu.memref_squeeze %dma_wait3A_103 : memref<1x200x64xf32, #tpu.memory_space<hbm>> -> memref<200x64xf32, #tpu.memory_space<hbm>>
    %dma_wait3A_105 = arith.constant 0 : i32
    %dma_wait3A_106 = arith.constant 0 : i32
    %dma_wait3A_107 = tpu.memref_slice %arg6[%dma_wait3A_92, %dma_wait3A_105, %dma_wait3A_106] : memref<4x200x64xf32, #tpu.memory_space<vmem>> -> memref<1x200x64xf32, #tpu.memory_space<vmem>>
    %dma_wait3A_108 = tpu.memref_squeeze %dma_wait3A_107 : memref<1x200x64xf32, #tpu.memory_space<vmem>> -> memref<200x64xf32, #tpu.memory_space<vmem>>
    tpu.wait_dma2 semaphore(%arg17 : memref<!tpu.dma_semaphore, #tpu.memory_space<semaphore_mem>>) src(%dma_wait3A_108 : memref<200x64xf32, #tpu.memory_space<vmem>>) dst(%dma_wait3A_104 : memref<200x64xf32, #tpu.memory_space<hbm>>)
    %dma_wait3A_109 = arith.constant 3 : i32
    %dma_wait3A_110 = arith.constant 0 : i32
    %dma_wait3A_111 = arith.constant 0 : i32
    %dma_wait3A_112 = tpu.memref_slice %arg6[%dma_wait3A_109, %dma_wait3A_110, %dma_wait3A_111] : memref<4x200x64xf32, #tpu.memory_space<vmem>> -> memref<1x200x64xf32, #tpu.memory_space<vmem>>
    %dma_wait3A_113 = tpu.memref_squeeze %dma_wait3A_112 : memref<1x200x64xf32, #tpu.memory_space<vmem>> -> memref<200x64xf32, #tpu.memory_space<vmem>>
    %dma_wait3A_114 = arith.constant 0 : i32
    %dma_wait3A_115 = arith.constant 0 : i32
    %dma_wait3A_116 = tpu.memref_slice %arg4[%mul3A_2, %dma_wait3A_114, %dma_wait3A_115] : memref<4096x200x64xf32, #tpu.memory_space<hbm>> -> memref<1x200x64xf32, #tpu.memory_space<hbm>>
    %dma_wait3A_117 = tpu.memref_squeeze %dma_wait3A_116 : memref<1x200x64xf32, #tpu.memory_space<hbm>> -> memref<200x64xf32, #tpu.memory_space<hbm>>
    %dma_wait3A_118 = arith.constant 0 : i32
    %dma_wait3A_119 = arith.constant 0 : i32
    %dma_wait3A_120 = tpu.memref_slice %arg4[%mul3A_2, %dma_wait3A_118, %dma_wait3A_119] : memref<4096x200x64xf32, #tpu.memory_space<hbm>> -> memref<1x200x64xf32, #tpu.memory_space<hbm>>
    %dma_wait3A_121 = tpu.memref_squeeze %dma_wait3A_120 : memref<1x200x64xf32, #tpu.memory_space<hbm>> -> memref<200x64xf32, #tpu.memory_space<hbm>>
    %dma_wait3A_122 = arith.constant 0 : i32
    %dma_wait3A_123 = arith.constant 0 : i32
    %dma_wait3A_124 = tpu.memref_slice %arg6[%dma_wait3A_109, %dma_wait3A_122, %dma_wait3A_123] : memref<4x200x64xf32, #tpu.memory_space<vmem>> -> memref<1x200x64xf32, #tpu.memory_space<vmem>>
    %dma_wait3A_125 = tpu.memref_squeeze %dma_wait3A_124 : memref<1x200x64xf32, #tpu.memory_space<vmem>> -> memref<200x64xf32, #tpu.memory_space<vmem>>
    tpu.wait_dma2 semaphore(%arg18 : memref<!tpu.dma_semaphore, #tpu.memory_space<semaphore_mem>>) src(%dma_wait3A_125 : memref<200x64xf32, #tpu.memory_space<vmem>>) dst(%dma_wait3A_121 : memref<200x64xf32, #tpu.memory_space<hbm>>)
    return
  }
}

</mosaic_0001>

<sc_bundles>
// kernel: kernel.3.cloned.1.call-start
scs
__scs_entry_jumppad:
0x0: {  	(pc) =	sbr.rel $0x88, $3  }
0x1: {  	(tag) =	ssettag $0x0;
	lr =	simm.s32 $0x1  }
0x2: {  	[smem:$0x3F9F] =	sst lr;
	_ =	strace $0xD0000000  }
0x3: {  	_ = 	snop  }
0x4: {  	_ = 	snop  }
0x5: {  	_ = 	snop  }
0x6: {  	_ = 	snop  }
0x7: {  	_ = 	snop  }
__scs_overlays_trampoline_lowered:
0x8: {  	[smem:$0x3FAE] =	sst s0  }
0x9: {  	[smem:$0x3FAF] =	sst s1  }
0xa: {  	[smem:$0x3FB0] =	sst s2  }
0xb: {  	[smem:$0x3FB1] =	sst s3  }
0xc: {  	[smem:$0x3FB2] =	sst s4  }
0xd: {  	[smem:$0x3FB3] =	sst s5  }
0xe: {  	[smem:$0x3FB4] =	sst s6  }
0xf: {  	[smem:$0x3FB5] =	sst s7  }
0x10: {  	[smem:$0x3FB6] =	sst s8  }
0x11: {  	[smem:$0x3FB7] =	sst s9;
	s0 =	simm.s32 @!p0 $0x0  }
0x12: {  	s1 =	sld [smem:$0x3F9D];
	s0 =	simm.s32 @p0 $0x1  }
0x13: {  	[smem:$0x3FB8] =	sst s0;
	s0 =	simm.s32 @!p1 $0x0  }
0x14: {  	s2 =	sld [smem:$0x3F9C];
	s0 =	simm.s32 @p1 $0x1  }
0x15: {  	[smem:$0x3FB9] =	sst s0;
	s0 =	simm.s32 @!p2 $0x0  }
0x16: {  	s3 =	sld [smem:$0x3FDB];
	s0 =	simm.s32 @p2 $0x1  }
0x17: {  	s4 =	simm.s32 $0x1BF5;
	[smem:$0x3FBB] =	sst s0  }
0x18: {  	s0 =	sld [smem:$0x3F9E];
	_ =	swait.ge [sflag:s4], $0x0  }
0x19: {  	s7 =	sld [smem:$0x3F9F]  }
0x1a: {  	s8 =	sadd.s32 $0xFFFFE003, lr  }
0x1b: {  	s9 =	sadd.s32 $0xFFFFFEF7, lr;
	s5 =	simm.s32 $0xFFFFFFFF;
	p2 =	slt.u32 s8, $0xFFFFF086  }
0x1c: {  	p1 =	slt.u32 s9, $0xF7A;
	s5 =	simm.s32 @!p2 $0x0  }
0x1d: {  	s5 =	simm.s32 @p1 $0x1;
	p0 =	seq.s32 s7, s2  }
0x1e: {  	s7 =	smul.u32 @!p0 $0xF7A, s2;
	p2 =	seq.s32 @!p0 s5, $0x0  }
0x1f: {  	s9 =	smul.u32 $0xF7A, s1;
	s8 =	simm.s32 @!p0 $0x1BF5;
	p2 =	por !p2, p0  }
0x20: {  	[sflag:s8] =	ssyncset.s32 @!p0 $0xFFFFF086;
	s6 =	sadd.s32 @!p0 s3, s7;
	s7 =	simm.s32 @!p0 $0x108  }
0x21: {  	s3 =	sadd.s32 s3, s9;
	s6 =	sadd.s32 @!p0 $0x88, s6;
	s7 =	simm.s32 @p2 $0x1082  }
0x22: {  	[simem:s7], [sflag:s8] =	dma.local @!p0 [hbm:s6], $0xF7A  }
0x23: {  	s9 =	sor.u32 $0xD0000000, s2;
	s6 =	simm.s32 $0x108;
	_ =	swait.ge @!p0 [sflag:s8], $0x0  }
0x24: {  	s3 =	sadd.s32 $0x88, s3;
	s6 =	simm.s32 @!p1 $0x1082;
	[sflag:s4] =	ssyncset.s32 $0xFFFFF086  }
0x25: {  	[simem:s6], [sflag:s4] =	dma.local [hbm:s3], $0xF7A  }
0x26: {  	[smem:$0x3F9F] =	sst s1;
	(tag) =	ssettag s2;
	_ =	strace s9  }
0x27: {  	s1 =	sld [smem:$0x3FAF]  }
0x28: {  	s2 =	sld [smem:$0x3FB0]  }
0x29: {  	s4 =	sld [smem:$0x3FB2]  }
0x2a: {  	p0 =	seq.s32 s5, $0x0;
	s5 =	sld [smem:$0x3FB3]  }
0x2b: {  	s6 =	sld [smem:$0x3FB4]  }
0x2c: {  	s7 =	sld [smem:$0x3FB5]  }
0x2d: {  	s3 =	simm.s32 $0x108;
	s8 =	sld [smem:$0x3FB6]  }
0x2e: {  	s3 =	simm.s32 @!p0 $0x1082;
	s9 =	sld [smem:$0x3FB7]  }
0x2f: {  	lr =	sadd.s32 s0, s3;
	s0 =	sld [smem:$0x3FAE]  }
0x30: {  	s3 =	sld [smem:$0x3FB1]  }
0x31: {  	[smem:$0x3FBA] =	sst s10  }
0x32: {  	s10 =	sld [smem:$0x3FB8];
	_ =	sdelay $0x3  }
0x33: {  	p0 =	seq.s32 s10, $0x1;
	s10 =	sld [smem:$0x3FBA];
	_ =	sdelay $0x3  }
0x34: {  	[smem:$0x3FBA] =	sst s10  }
0x35: {  	s10 =	sld [smem:$0x3FB9];
	_ =	sdelay $0x3  }
0x36: {  	p1 =	seq.s32 s10, $0x1;
	s10 =	sld [smem:$0x3FBA];
	_ =	sdelay $0x3  }
0x37: {  	[smem:$0x3FBA] =	sst s10  }
0x38: {  	s10 =	sld [smem:$0x3FBB]  }
0x39: {  	_ = 	snop;
	(pc) =	sbr.ind lr, $3  }
0x3a: {  	_ = 	snop  }
0x3b: {  	_ = 	snop  }
0x3c: {  	p2 =	seq.s32 s10, $0x1;
	s10 =	sld [smem:$0x3FBA]  }
0x3d: {  	_ =	shalt  }
0x3e: {  	_ =	shalt  }
0x3f: {  	_ =	shalt  }
0x40: {  	_ =	shalt  }
0x41: {  	_ =	shalt  }
0x42: {  	_ =	shalt  }
0x43: {  	_ =	shalt  }
0x44: {  	_ =	shalt  }
0x45: {  	_ =	shalt  }
0x46: {  	_ =	shalt  }
0x47: {  	_ =	shalt  }
0x48: {  	_ =	shalt  }
0x49: {  	_ =	shalt  }
0x4a: {  	_ =	shalt  }
0x4b: {  	_ =	shalt  }
0x4c: {  	_ =	shalt  }
0x4d: {  	_ =	shalt  }
0x4e: {  	_ =	shalt  }
0x4f: {  	_ =	shalt  }
0x50: {  	_ =	shalt  }
0x51: {  	_ =	shalt  }
0x52: {  	_ =	shalt  }
0x53: {  	_ =	shalt  }
0x54: {  	_ =	shalt  }
0x55: {  	_ =	shalt  }
0x56: {  	_ =	shalt  }
0x57: {  	_ =	shalt  }
0x58: {  	_ =	shalt  }
0x59: {  	_ =	shalt  }
0x5a: {  	_ =	shalt  }
0x5b: {  	_ =	shalt  }
0x5c: {  	_ =	shalt  }
0x5d: {  	_ =	shalt  }
0x5e: {  	_ =	shalt  }
0x5f: {  	_ =	shalt  }
0x60: {  	_ =	shalt  }
0x61: {  	_ =	shalt  }
0x62: {  	_ =	shalt  }
0x63: {  	_ =	shalt  }
0x64: {  	_ =	shalt  }
0x65: {  	_ =	shalt  }
0x66: {  	_ =	shalt  }
0x67: {  	_ =	shalt  }
0x68: {  	_ =	shalt  }
0x69: {  	_ =	shalt  }
0x6a: {  	_ =	shalt  }
0x6b: {  	_ =	shalt  }
0x6c: {  	_ =	shalt  }
0x6d: {  	_ =	shalt  }
0x6e: {  	_ =	shalt  }
0x6f: {  	_ =	shalt  }
0x70: {  	_ =	shalt  }
0x71: {  	_ =	shalt  }
0x72: {  	_ =	shalt  }
0x73: {  	_ =	shalt  }
0x74: {  	_ =	shalt  }
0x75: {  	_ =	shalt  }
0x76: {  	_ =	shalt  }
0x77: {  	_ =	shalt  }
0x78: {  	_ =	shalt  }
0x79: {  	_ =	shalt  }
0x7a: {  	_ =	shalt  }
0x7b: {  	_ =	shalt  }
0x7c: {  	_ =	shalt  }
0x7d: {  	_ =	shalt  }
0x7e: {  	_ =	shalt  }
0x7f: {  	_ =	shalt  }
0x80: {  	_ =	shalt  }
0x81: {  	_ =	shalt  }
0x82: {  	_ =	shalt  }
0x83: {  	_ =	shalt  }
0x84: {  	_ =	shalt  }
0x85: {  	_ =	shalt  }
0x86: {  	_ =	shalt  }
0x87: {  	_ =	shalt  }
.Lfunc_end0:
.L_simem_size_0:
called_computation.1_lowered:
.L_overlay_start_0:
0x88: {  	s2 =	sld [smem:$0x3FD9]  }
0x89: {  	s3 =	sld [smem:$0x3FFE];
	_ =	sdelay $0x1  }
0x8a: {  	s1 =	srdreg.scid  }
0x8b: {  	s0 =	sand.u32 $0x1, s1  }
0x8c: {  	s17 =	sshll.u32 s0, $0xA;
	s2 =	sadd.s32 s3, s2  }
0x8d: {  	s2 =	sadd.s32 s2, s17  }
0x8e: {  	[smem:$0x3FC6] =	sst s2  }
0x8f: {  	_ = 	snop  }
0x90: {  	s2 =	sld [smem:$0x3FD0];
	(tm) =	ssettm $0x1  }
0x91: {  	s18 =	sld [smem:$0x3FFB];
	_ =	sdelay $0x3  }
0x92: {  	_ =	strace s18  }
0x93: {  	s3 =	sld [smem:$0x3FFC];
	_ =	sdelay $0x3  }
0x94: {  	_ =	strace s3  }
0x95: {  	s3 =	sld [smem:$0x3FFD];
	_ =	sdelay $0x3  }
0x96: {  	_ =	strace s3  }
0x97: {  	_ =	strace $0x8FFFFFFF  }
0x98: {  	s19 =	sld [smem:$0x3FDB];
	_ =	sdelay $0x1  }
0x99: {  	s4 =	simm.s32 $_scs_section_size  }
0x9a: {  	s5 =	simm.s32 $_size__tile_overlayer_lowered;
	s6 =	simm.s32 $_tile_overlayer_lowered  }
0x9b: {  	s22 =	simm.s32 $0x1BFF;
	s21 =	sshll.u32 s6, $0x1;
	s3 =	sadd.s32 s4, s19  }
0x9c: {  	s7 =	simm.s32 $0x0;
	s20 =	sshll.u32 s5, $0x1;
	s5 =	sadd.s32 s21, s3  }
0x9d: {  	[timem:s7], [sflag:s22] =	dma.local [hbm:s5], s20  }
0x9e: {  	_ =	swait.ge [sflag:s22], s20  }
0x9f: {  	s4 =	ssub.s32 $0x0, s20;
	[sflag:s22] =	ssyncset.done $0x0  }
0xa0: {  	[sflag:s22] =	ssyncadd.s32 s4;
	_ =	sdelay $0x1  }
0xa1: {  	s23 =	simm.s32 $0x1B8B  }
0xa2: {  	_ =	swait.ge [sflag:s23], $0x1  }
0xa3: {  	[sflag:s23] =	ssyncset.done $0x0  }
0xa4: {  	s25 =	simm.s32 $0x1B8E;
	s24 =	sld [smem:$0x3FFE];
	[sflag:s23] =	ssyncadd.s32 $0xFFFFFFFF  }
0xa5: {  	s26 =	simm.s32 $execute0_lowered;
	[smem:$0x3FD2] =	sst s25  }
0xa6: {  	s5 =	sshll.u32 s26, $0x1;
	_ =	strace $0x80000046;
	[dreg:$0x1] =	wrdreg $0xFFFFFFFF  }
0xa7: {  	s28 =	simm.s32 $_size_execute0_lowered;
	s3 =	sadd.s32 s3, s5;
	[dreg:$0x0] =	wrdreg $0x0  }
0xa8: {  	s5 =	sshll.u32 s28, $0x1;
	[dreg:$0x2] =	wrdreg s3  }
0xa9: {  	[dreg:$0x3] =	wrdreg s5  }
0xaa: {  	[dreg:$0x4] =	wrdreg $0xC0  }
0xab: {  	_ =	task [dreg:s7], $0x5FFFF  }
0xac: {  	[dreg:$0x1] =	wrdreg $0xFFFFFFFF  }
0xad: {  	[dreg:$0x0] =	wrdreg $0x60  }
0xae: {  	[dreg:$0x2] =	wrdreg s24  }
0xaf: {  	[dreg:$0x3] =	wrdreg s2  }
0xb0: {  	[dreg:$0x4] =	wrdreg $0x9  }
0xb1: {  	_ =	task.clear_ibuf [dreg:s7], $0x5FFFF;
	_ =	strace $0x90000046  }
0xb2: {  	s29 =	simm.s32 $0x9;
	_ =	strace $0x80000048  }
0xb3: {  	_ =	swait.ge [sflag:s29], $0x1  }
0xb4: {  	[sflag:s29] =	ssyncadd.s32 $0xFFFFFFFF  }
0xb5: {  	_ =	strace $0x90000048  }
0xb6: {  	_ =	sfence  }
0xb7: {  	s30 =	sld [smem:$0x0];
	_ =	sdelay $0x2  }
0xb8: {  	s31 =	sshll.u32 s1, $0xD;
	s1 =	sshrl.u32 s1, $0x2  }
0xb9: {  	s3 =	sand.u32 $0x4000, s31;
	s1 =	sadd.s32 s1, s30  }
0xba: {  	s0 =	sor.u32 s3, s0;
	s1 =	sshll.u32 s1, $0x11  }
0xbb: {  	s0 =	sor.u32 s1, s0  }
0xbc: {  	s0 =	sadd.s32 $0x8F2B, s0  }
0xbd: {  	[sflag:s0] =	ssyncadd.remote.s32 $0x1  }
0xbe: {  	_ =	sfence.sel $0xFFFF  }
0xbf: {  	[dreg:$0x0] =	wrdreg $0xFFFFFFFF;
	(pc) =	sbr.abs _section_cstart, $3  }
0xc0: {  	[dreg:$0x1] =	wrdreg $0xFFFFFFFF  }
0xc1: {  	_ =	task.clear_ibuf [dreg:s7], $0x2FFFF;
	_ =	strace $0x9FFFFFFF  }
0xc2: {  	(tm) =	ssettm $0x7FFFFFFF  }
0xc3: {  	_ =	shalt  }
tec
execute0_lowered:
.L_overlay_start_1:
0x0: {  	(tag) =	ssettag $0x1  }
0x1: {  	s0 =	rddreg [dreg:$0x0]  }
0x2: {  	s1 =	rddreg [dreg:$0x1]  }
0x3: {  	s3 =	srdreg.scid;
	s15 =	stileid.u32  }
0x4: {  	s2 =	simm.s32 $0x0;
	s28 =	simm.s32 $0x8;
	s29 =	simm.s32 $0x9  }
0x5: {  	s30 =	simm.s32 $0xA;
	s5 =	sand.u32 $0x1, s3;
	s10 =	sshll.u32 s15, $0x1  }
0x6: {  	s31 =	simm.s32 $0xB;
	[smem:$0x7FF] =	sst s2;
	s3 =	sor.u32 s5, s10  }
0x7: {  	s8 =	sadd.s32 $0xA00, s0;
	s6 =	ssub.s32 $0x2, s5;
	s3 =	smul.u32 $0xC80, s3  }
0x8: {  	s7 =	smul.u32 $0xC800, s15;
	s4 =	sadd.s32 $0xF42E00, s0;
	s9 =	sshrl.u32 s6, $0x1  }
0x9: {  	s14 =	smul.u32 $0x320000, s15;
	s11 =	ssub.s32 s6, s9;
	s3 =	sadd.s32 s8, s3  }
0xa: {  	_ =	strace $0x80000047;
	s0 =	smax.u32 s11, $0x1;
	[dreg:$0x3] =	wrdreg s3  }
0xb: {  	s24 =	smul.u32 $0x64000, s15;
	s12 =	sadd.s32 $0x19, s3;
	[dreg:$0x7] =	wrdreg s0  }
0xc: {  	s10 =	smul.u32 $0x6400, s5;
	s13 =	sadd.s32 $0x32, s3;
	[dreg:$0x4] =	wrdreg s12  }
0xd: {  	s16 =	smul.u32 $0x190000, s5;
	s3 =	sadd.s32 $0x4B, s3;
	[dreg:$0x5] =	wrdreg s13  }
0xe: {  	s25 =	smul.u32 $0x32000, s5;
	s12 =	sadd.s32 s10, s7;
	[dreg:$0x6] =	wrdreg s3  }
0xf: {  	s13 =	sadd.s32 s16, s14;
	s7 =	sadd.s32 $0x578, s12;
	s18 =	sadd.s32 $0x4B0, s12  }
0x10: {  	s20 =	sor.u32 $0x3E8, s12;
	s6 =	sor.u32 $0x6400, s13;
	s14 =	sor.u32 $0x9600, s13  }
0x11: {  	s23 =	sor.u32 $0x3200, s13;
	s12 =	sor.u32 $0x320, s12;
	s17 =	sshrl.u32 s7, $0x3  }
0x12: {  	s19 =	sshrl.u32 s18, $0x3;
	s0 =	sshrl.u32 s20, $0x3;
	s6 =	sshrl.u32 s6, $0x3  }
0x13: {  	s22 =	sshrl.u32 s14, $0x3;
	s26 =	sshrl.u32 s12, $0x3;
	s20 =	simm.s32 $0x2  }
0x14: {  	s9 =	sadd.s32 s17, s8;
	s10 =	sadd.s32 s19, s8;
	s11 =	sadd.s32 s0, s8  }
0x15: {  	s21 =	sadd.s32 s6, s1;
	s0 =	sadd.s32 s22, s1;
	s15 =	sadd.s32 s26, s8  }
0x16: {  	s17 =	simm.s32 $0xC8;
	s19 =	simm.s32 $0x258;
	s22 =	simm.s32 $0x4  }
.Ltmp0:
0x17: {  	s26 =	simm.s32 $0x6;
	[dreg:$0x8] =	wrdreg s21;
	(pc) =	sbr.rel .LBB2_1-.Ltmp0, $4  }
0x18: {  	[dreg:$0x9] =	wrdreg s0;
	s0 =	sshrl.u32 s23, $0x3;
	s21 =	simm.s32 $0x3520  }
0x19: {  	s23 =	simm.s32 $0x9920;
	s0 =	sadd.s32 s0, s1;
	s1 =	sadd.s32 s24, s1  }
0x1a: {  	s24 =	simm.s32 $0x5;
	[dreg:$0xa] =	wrdreg s0;
	s18 =	sadd.s32 s25, s1  }
0x1b: {  	s25 =	simm.s32 $0x320;
	s0 =	simm.s32 $0xC;
	s1 =	simm.s32 $0x0  }
.LBB2_4:
0x1c: {  	_ =	swait.ge [sflag:s29], $0x3200  }
0x1d: {  	[sflag:s29] =	ssyncset.done $0x0  }
0x1e: {  	[sflag:s29] =	ssyncadd.s32 $0xFFFFCE00  }
0x1f: {  	_ =	swait.ge [sflag:s30], $0x3200  }
0x20: {  	[sflag:s30] =	ssyncset.done $0x0  }
0x21: {  	[sflag:s30] =	ssyncadd.s32 $0xFFFFCE00  }
0x22: {  	_ =	swait.ge [sflag:s31], $0x3200  }
0x23: {  	[sflag:s31] =	ssyncset.done $0x0  }
0x24: {  	[sflag:s31] =	ssyncadd.s32 $0xFFFFCE00  }
0x25: {  	_ =	swait.ge [sflag:s0], $0x3200  }
0x26: {  	s1 =	sadd.s32 $0x1, s1;
	s3 =	rddreg [dreg:$0x7]  }
0x27: {  	p0 =	sne.s32 s1, s3  }
.Ltmp1:
0x28: {  	_ = 	snop;
	(pc) =	sbr.rel @!p0 .LBB2_5-.Ltmp1, $3  }
0x29: {  	_ =	sdelay $0x1  }
0x2a: {  	[sflag:s0] =	ssyncset.done $0x0  }
0x2b: {  	[sflag:s0] =	ssyncadd.s32 $0xFFFFCE00  }
.LBB2_1:
0x2c: {  	s3 =	rddreg [dreg:$0x3]  }
0x2d: {  	s13 =	rddreg [dreg:$0x4]  }
0x2e: {  	s14 =	rddreg [dreg:$0x5]  }
0x2f: {  	[tilespmem:s2], [sflag:$0x1] =	stream.linear.gather [hbm4b:s3+s2], $0xC8, $0x38;
	[tilespmem:$0xCB20] =	vst v63  }
0x30: {  	s16 =	rddreg [dreg:$0x6]  }
0x31: {  	[tilespmem:s17], [sflag:$0x2] =	stream.linear.gather [hbm4b:s13+s2], $0xC8, $0x38;
	[tilespmem:$0xCB20] =	vst v63  }
0x32: {  	s5 =	simm.s32 $0x190;
	s12 =	rddreg [dreg:$0x8]  }
0x33: {  	[tilespmem:s5], [sflag:$0x3] =	stream.linear.gather [hbm4b:s14+s2], $0xC8, $0x38;
	[tilespmem:$0xCB20] =	vst v63  }
0x34: {  	s13 =	rddreg [dreg:$0x9]  }
0x35: {  	[tilespmem:s19], [sflag:$0x4] =	stream.linear.gather [hbm4b:s16+s2], $0xC8, $0x38;
	[tilespmem:$0xCB20] =	vst v63  }
0x36: {  	s8 =	simm.s32 $0x0;
	s14 =	rddreg [dreg:$0xa];
	s16 =	smov.u32 s18  }
.LBB2_2:
0x37: {  	p0 =	seq.s32 s8, $0x0  }
0x38: {  	s3 =	simm.s32 @p0 $0x1  }
0x39: {  	_ =	swait.ge @p0 [sflag:s3], $0xC8  }
0x3a: {  	s7 =	simm.s32 @p0 $0x0;
	[sflag:s3] =	ssyncset.done @p0 $0x0  }
0x3b: {  	s6 =	simm.s32 @p0 $0x320;
	[sflag:s3] =	ssyncadd.s32 @p0 $0xFFFFFF38;
	s3 =	simm.s32 @p0 $0xC8  }
0x3c: {  	[tilespmem:s6], [sflag:$0x5] =	stream.indirect.gather @p0 [hbm4b:s4+s3], $0x40, s7, s3, $0xb8;
	[tilespmem:$0xCB20] =	vst v63  }
0x3d: {  	s6 =	simm.s32 @!p0 $0x9  }
0x3e: {  	_ =	swait.ge @!p0 [sflag:s6], $0x3200  }
0x3f: {  	[sflag:s6] =	ssyncset.done @!p0 $0x0  }
0x40: {  	[sflag:s6] =	ssyncadd.s32 @!p0 $0xFFFFCE00;
	s6 =	simm.s32 @!p0 $0x1  }
0x41: {  	_ =	swait.ge @!p0 [sflag:s6], $0xC8  }
0x42: {  	s5 =	simm.s32 @!p0 $0x320;
	[sflag:s6] =	ssyncset.done @!p0 $0x0  }
0x43: {  	s7 =	simm.s32 @!p0 $0x0;
	[sflag:s6] =	ssyncadd.s32 @!p0 $0xFFFFFF38;
	s6 =	simm.s32 @!p0 $0xC8  }
0x44: {  	[tilespmem:s5], [sflag:$0x5] =	stream.indirect.gather @!p0 [hbm4b:s4+s6], $0x40, s7, s6, $0xb8;
	[tilespmem:$0xCB20] =	vst v63  }
0x45: {  	s5 =	simm.s32 @!p0 $0xA  }
0x46: {  	_ =	swait.ge @!p0 [sflag:s5], $0x3200  }
0x47: {  	[sflag:s5] =	ssyncset.done @!p0 $0x0  }
0x48: {  	[sflag:s5] =	ssyncadd.s32 @!p0 $0xFFFFCE00  }
0x49: {  	_ =	swait.ge [sflag:s20], $0xC8  }
0x4a: {  	[sflag:s20] =	ssyncset.done $0x0  }
0x4b: {  	s5 =	simm.s32 @p0 $0x3;
	[sflag:s20] =	ssyncadd.s32 $0xFFFFFF38  }
0x4c: {  	[tilespmem:s21], [sflag:$0x6] =	stream.indirect.gather [hbm4b:s4+s17], $0x40, s17, s17, $0xb8;
	[tilespmem:$0xCB20] =	vst v63  }
0x4d: {  	_ =	swait.ge @p0 [sflag:s5], $0xC8  }
0x4e: {  	[sflag:s5] =	ssyncset.done @p0 $0x0  }
0x4f: {  	s7 =	simm.s32 @p0 $0x6720;
	[sflag:s5] =	ssyncadd.s32 @p0 $0xFFFFFF38;
	s5 =	simm.s32 @p0 $0x190  }
0x50: {  	[tilespmem:s7], [sflag:$0x7] =	stream.indirect.gather @p0 [hbm4b:s4+s3], $0x40, s5, s3, $0xb8;
	[tilespmem:$0xCB20] =	vst v63  }
0x51: {  	s3 =	simm.s32 @!p0 $0xB  }
0x52: {  	_ =	swait.ge @!p0 [sflag:s3], $0x3200  }
0x53: {  	[sflag:s3] =	ssyncset.done @!p0 $0x0  }
0x54: {  	[sflag:s3] =	ssyncadd.s32 @!p0 $0xFFFFCE00;
	s3 =	simm.s32 @!p0 $0x3  }
0x55: {  	_ =	swait.ge @!p0 [sflag:s3], $0xC8  }
0x56: {  	[sflag:s3] =	ssyncset.done @!p0 $0x0  }
0x57: {  	s5 =	simm.s32 @!p0 $0x6720;
	[sflag:s3] =	ssyncadd.s32 @!p0 $0xFFFFFF38;
	s3 =	simm.s32 @!p0 $0x190  }
0x58: {  	[tilespmem:s5], [sflag:$0x7] =	stream.indirect.gather @!p0 [hbm4b:s4+s6], $0x40, s3, s6, $0xb8;
	[tilespmem:$0xCB20] =	vst v63  }
0x59: {  	s3 =	simm.s32 @!p0 $0xC  }
0x5a: {  	_ =	swait.ge @!p0 [sflag:s3], $0x3200  }
0x5b: {  	[sflag:s3] =	ssyncset.done @!p0 $0x0  }
0x5c: {  	[sflag:s3] =	ssyncadd.s32 @!p0 $0xFFFFCE00  }
0x5d: {  	_ =	swait.ge [sflag:s22], $0xC8  }
0x5e: {  	[sflag:s22] =	ssyncset.done $0x0  }
0x5f: {  	[sflag:s22] =	ssyncadd.s32 $0xFFFFFF38  }
0x60: {  	[tilespmem:s23], [sflag:$0x8] =	stream.indirect.gather [hbm4b:s4+s17], $0x40, s19, s17, $0xb8;
	[tilespmem:$0xCB20] =	vst v63  }
0x61: {  	_ =	swait.ge [sflag:s24], $0x3200  }
0x62: {  	[sflag:s24] =	ssyncset.done $0x0  }
0x63: {  	p0 =	seq.s32 s8, $0xC1C;
	[sflag:s24] =	ssyncadd.s32 $0xFFFFCE00  }
0x64: {  	[hbm4b:s16+s2] =	stream.linear.scatter [tilespmem:s25], [sflag:$0x9], $0x3200, $0x38;
	[tilespmem:$0xCB20] =	vst v63  }
0x65: {  	s3 =	sadd.s32 @!p0 s8, s15;
	s5 =	simm.s32 @!p0 $0x0  }
0x66: {  	[tilespmem:s5], [sflag:$0x1] =	stream.linear.gather @!p0 [hbm4b:s3+s5], $0xC8, $0x38;
	[tilespmem:$0xCB20] =	vst v63  }
0x67: {  	_ =	swait.ge [sflag:s26], $0x3200  }
0x68: {  	[sflag:s26] =	ssyncset.done $0x0  }
0x69: {  	s3 =	simm.s32 @p0 $0x7;
	[sflag:s26] =	ssyncadd.s32 $0xFFFFCE00  }
0x6a: {  	[hbm4b:s14+s2] =	stream.linear.scatter [tilespmem:s21], [sflag:$0xA], $0x3200, $0x38;
	[tilespmem:$0xCB20] =	vst v63  }
0x6b: {  	_ =	swait.ge @p0 [sflag:s3], $0x3200  }
0x6c: {  	[sflag:s3] =	ssyncset.done @p0 $0x0  }
0x6d: {  	s6 =	simm.s32 @p0 $0x6720;
	[sflag:s3] =	ssyncadd.s32 @p0 $0xFFFFCE00;
	s3 =	simm.s32 @p0 $0x0  }
0x6e: {  	[hbm4b:s12+s3] =	stream.linear.scatter @p0 [tilespmem:s6], [sflag:$0xB], $0x3200, $0x38;
	[tilespmem:$0xCB20] =	vst v63  }
0x6f: {  	s3 =	sadd.s32 @!p0 s8, s11;
	s6 =	simm.s32 @!p0 $0xC8  }
0x70: {  	[tilespmem:s6], [sflag:$0x2] =	stream.linear.gather @!p0 [hbm4b:s3+s5], $0xC8, $0x38;
	[tilespmem:$0xCB20] =	vst v63  }
0x71: {  	s3 =	simm.s32 @!p0 $0x7  }
0x72: {  	_ =	swait.ge @!p0 [sflag:s3], $0x3200  }
0x73: {  	[sflag:s3] =	ssyncset.done @!p0 $0x0  }
0x74: {  	[sflag:s3] =	ssyncadd.s32 @!p0 $0xFFFFCE00;
	s3 =	simm.s32 @!p0 $0x6720  }
0x75: {  	[hbm4b:s12+s5] =	stream.linear.scatter @!p0 [tilespmem:s3], [sflag:$0xB], $0x3200, $0x38;
	[tilespmem:$0xCB20] =	vst v63  }
0x76: {  	s6 =	simm.s32 @!p0 $0x190;
	s3 =	sadd.s32 @!p0 s8, s10  }
0x77: {  	[tilespmem:s6], [sflag:$0x3] =	stream.linear.gather @!p0 [hbm4b:s3+s5], $0xC8, $0x38;
	[tilespmem:$0xCB20] =	vst v63  }
.Ltmp2:
0x78: {  	_ = 	snop;
	(pc) =	sbr.rel @p0 .LBB2_4-.Ltmp2, $4  }
0x79: {  	_ =	swait.ge [sflag:s28], $0x3200  }
0x7a: {  	[sflag:s28] =	ssyncset.done $0x0  }
0x7b: {  	[sflag:s28] =	ssyncadd.s32 $0xFFFFCE00  }
0x7c: {  	[hbm4b:s13+s2] =	stream.linear.scatter [tilespmem:s23], [sflag:$0xC], $0x3200, $0x38;
	[tilespmem:$0xCB20] =	vst v63  }
.Ltmp3:
0x7d: {  	(pc) =	sbr.rel .LBB2_2-.Ltmp3, $4  }
0x7e: {  	_ = 	snop  }
0x7f: {  	s3 =	sadd.s32 s8, s9;
	s8 =	sadd.s32 $0x64, s8;
	s12 =	sadd.s32 $0x1900, s12  }
0x80: {  	s13 =	sadd.s32 $0x1900, s13;
	s14 =	sadd.s32 $0x1900, s14;
	s16 =	sadd.s32 $0x1900, s16  }
0x81: {  	[tilespmem:s19], [sflag:$0x4] =	stream.linear.gather [hbm4b:s3+s2], $0xC8, $0x38;
	[tilespmem:$0xCB20] =	vst v63  }
.LBB2_5:
0x82: {  	_ =	sfence.sel $0x180000  }
0x83: {  	[bflag:$0x0] =	sbarrier.arrive $0xFFFF  }
0x84: {  	_ =	strace $0x90000047  }
0x85: {  	s0 =	stileid.u32;
	[bflag:$0x2] =	sbarrier.arrive $0xFFFF  }
0x86: {  	p0 =	sne.s32 s0, $0x0;
	s0 =	rddreg [dreg:$0x2]  }
0x87: {  	s0 =	sadd.s32 @!p0 $0x100000, s0  }
0x88: {  	[sflag:s0] =	ssyncadd.tile.s32 @!p0 $0x1;
	_ =	shalt  }
.Lfunc_end2:
_tile_overlayer_lowered:
.L_overlay_start_2:
0x89: {  	(tag) =	ssettag $0x2  }
0x8a: {  	s0 =	rddreg [dreg:$0x0];
	s2 =	stileid.u32  }
0x8b: {  	s1 =	rddreg [dreg:$0x1];
	p0 =	sne.s32 s2, $0x0  }
0x8c: {  	s3 =	rddreg [dreg:$0x2];
	[bflag:$0x3] =	sbarrier.arrive $0xFFFF;
	s2 =	simm.s32 @!p0 $0x1C0D  }
0x8d: {  	[timem:s3], [sflag:s2] =	dma.local @!p0 [hbm:s0], s1  }
0x8e: {  	s0 =	simm.s32 @!p0 $0xD  }
0x8f: {  	_ =	swait.ge @!p0 [sflag:s0], s1  }
0x90: {  	s1 =	ssub.s32 @!p0 $0x0, s1;
	[sflag:s0] =	ssyncset.done @!p0 $0x0  }
0x91: {  	[sflag:s0] =	ssyncadd.s32 @!p0 s1  }
0x92: {  	[bflag:$0x3] =	sbarrier.arrive $0xFFFF  }
0x93: {  	_ =	shalt  }

// kernel: sparse-core-data-format-call.cloned.1.call-start
scs
called_computation_lowered:
.L_overlay_start_0:
0x0: {  	s2 =	sld [smem:$0x3FD9]  }
0x1: {  	s3 =	sld [smem:$0x3FFE];
	_ =	sdelay $0x1  }
0x2: {  	s1 =	srdreg.scid  }
0x3: {  	s0 =	sand.u32 $0x1, s1  }
0x4: {  	s18 =	sshll.u32 s0, $0xA;
	s2 =	sadd.s32 s3, s2  }
0x5: {  	s2 =	sadd.s32 s2, s18  }
0x6: {  	[smem:$0x3FC6] =	sst s2  }
0x7: {  	_ = 	snop  }
0x8: {  	s2 =	sld [smem:$0x3FD0];
	(tm) =	ssettm $0x1  }
0x9: {  	s19 =	sld [smem:$0x3FFB];
	_ =	sdelay $0x3  }
0xa: {  	_ =	strace s19  }
0xb: {  	s3 =	sld [smem:$0x3FFC];
	_ =	sdelay $0x3  }
0xc: {  	_ =	strace s3  }
0xd: {  	s3 =	sld [smem:$0x3FFD];
	_ =	sdelay $0x3  }
0xe: {  	_ =	strace s3  }
0xf: {  	_ =	strace $0x8FFFFFFF  }
0x10: {  	s20 =	sld [smem:$0x3FDB];
	_ =	sdelay $0x1  }
0x11: {  	s4 =	simm.s32 $_scs_section_size  }
0x12: {  	s5 =	simm.s32 $_size__tile_overlayer_lowered;
	s6 =	simm.s32 $_tile_overlayer_lowered  }
0x13: {  	s23 =	simm.s32 $0x1BFF;
	s22 =	sshll.u32 s6, $0x1;
	s3 =	sadd.s32 s4, s20  }
0x14: {  	s7 =	simm.s32 $0x0;
	s21 =	sshll.u32 s5, $0x1;
	s5 =	sadd.s32 s22, s3  }
0x15: {  	[timem:s7], [sflag:s23] =	dma.local [hbm:s5], s21  }
0x16: {  	_ =	swait.ge [sflag:s23], s21  }
0x17: {  	s4 =	ssub.s32 $0x0, s21;
	[sflag:s23] =	ssyncset.done $0x0  }
0x18: {  	[sflag:s23] =	ssyncadd.s32 s4;
	_ =	sdelay $0x1  }
0x19: {  	s24 =	simm.s32 $0x1B8B  }
0x1a: {  	_ =	swait.ge [sflag:s24], $0x1  }
0x1b: {  	[sflag:s24] =	ssyncset.done $0x0  }
0x1c: {  	s26 =	simm.s32 $0x1B8E;
	s25 =	sld [smem:$0x3FFE];
	[sflag:s24] =	ssyncadd.s32 $0xFFFFFFFF  }
0x1d: {  	s27 =	simm.s32 $execute0_lowered;
	[smem:$0x3FD2] =	sst s26  }
0x1e: {  	s5 =	sshll.u32 s27, $0x1;
	_ =	strace $0x80000049;
	[dreg:$0x1] =	wrdreg $0xFFFFFFFF  }
0x1f: {  	s28 =	simm.s32 $_size_execute0_lowered;
	s3 =	sadd.s32 s3, s5;
	[dreg:$0x0] =	wrdreg $0x0  }
0x20: {  	s5 =	sshll.u32 s28, $0x1;
	[dreg:$0x2] =	wrdreg s3  }
0x21: {  	[dreg:$0x3] =	wrdreg s5  }
0x22: {  	[dreg:$0x4] =	wrdreg $0xC0  }
0x23: {  	_ =	task [dreg:s7], $0x5FFFF  }
0x24: {  	[dreg:$0x1] =	wrdreg $0xFFFFFFFF  }
0x25: {  	[dreg:$0x0] =	wrdreg $0x60  }
0x26: {  	[dreg:$0x2] =	wrdreg s25  }
0x27: {  	[dreg:$0x3] =	wrdreg s2  }
0x28: {  	[dreg:$0x4] =	wrdreg $0x9  }
0x29: {  	_ =	task.clear_ibuf [dreg:s7], $0x5FFFF;
	_ =	strace $0x90000049  }
0x2a: {  	s29 =	simm.s32 $0x9;
	_ =	strace $0x8000004B  }
0x2b: {  	_ =	swait.ge [sflag:s29], $0x1  }
0x2c: {  	[sflag:s29] =	ssyncadd.s32 $0xFFFFFFFF  }
0x2d: {  	_ =	strace $0x9000004B  }
0x2e: {  	_ =	sfence  }
0x2f: {  	s30 =	sld [smem:$0x0];
	_ =	sdelay $0x2  }
0x30: {  	s31 =	sshll.u32 s1, $0xD;
	s1 =	sshrl.u32 s1, $0x2  }
0x31: {  	s3 =	sand.u32 $0x4000, s31;
	s1 =	sadd.s32 s1, s30  }
0x32: {  	s0 =	sor.u32 s3, s0;
	s1 =	sshll.u32 s1, $0x11  }
0x33: {  	s0 =	sor.u32 s1, s0  }
0x34: {  	s0 =	sadd.s32 $0x8F2B, s0  }
0x35: {  	[sflag:s0] =	ssyncadd.remote.s32 $0x1  }
0x36: {  	_ =	sfence.sel $0xFFFF  }
0x37: {  	[dreg:$0x0] =	wrdreg $0xFFFFFFFF;
	(pc) =	sbr.abs _section_cstart, $3  }
0x38: {  	[dreg:$0x1] =	wrdreg $0xFFFFFFFF  }
0x39: {  	_ =	task.clear_ibuf [dreg:s7], $0x2FFFF;
	_ =	strace $0x9FFFFFFF  }
0x3a: {  	(tm) =	ssettm $0x7FFFFFFF  }
0x3b: {  	_ =	shalt  }
tec
execute0_lowered:
.L_overlay_start_1:
0x0: {  	(tag) =	ssettag $0x1  }
0x1: {  	s0 =	srdreg.scid  }
0x2: {  	s1 =	sshll.u32 s0, $0x4  }
0x3: {  	s0 =	stileid.u32;
	s1 =	sand.u32 $0x10, s1  }
0x4: {  	s1 =	sor.u32 s0, s1  }
0x5: {  	s6 =	rddreg [dreg:$0x0];
	s4 =	simm.s32 $0x1;
	s2 =	sshll.u32 s1, $0x7  }
0x6: {  	s7 =	simm.s32 $0x2;
	s12 =	simm.s32 $0x0;
	s1 =	ssub.s32 $0x1000, s2  }
0x7: {  	s8 =	simm.s32 $0x8000;
	s13 =	simm.s32 $0x0;
	s3 =	sand.u32 $0xF80, s1  }
0x8: {  	s9 =	simm.s32 $0x0;
	s5 =	sshrl.u32 s1, $0xC;
	p0 =	sne.s32 s3, $0x0  }
.Ltmp0:
0x9: {  	s1 =	rddreg [dreg:$0x2];
	s4 =	simm.s32 @!p0 $0x0;
	(pc) =	sbr.rel .LBB1_1-.Ltmp0, $4  }
0xa: {  	s11 =	simm.s32 $0x0;
	s3 =	rddreg [dreg:$0x1];
	s5 =	sadd.s32 s4, s5  }
0xb: {  	_ =	strace $0x8000004A;
	s4 =	simm.s32 $0x1;
	s5 =	smul.u32 $0xC8, s5  }
0xc: {  	s6 =	sadd.s32 $0xA00, s6;
	s10 =	smov.u32 s2;
	[sflag:s4] =	ssyncpa.u1 $0x0  }
0xd: {  	p0 =	por $0x0, $0x0;
	[sflag:s7] =	ssyncpa.u1 $0x0;
	s7 =	sor.u32 $0x1, s5  }
.LBB1_4:
0xe: {  	s16 =	sshll.u32 s13, $0x3;
	s17 =	sand.u32 $0x78, s13  }
0xf: {  	s30 =	sand.u32 $0x7E00, s13;
	s12 =	sshll.u32 s12, $0xF;
	s16 =	sand.u32 $0xC00, s16  }
0x10: {  	[tilespmem:s15+$0x810 ss:$0x81] =	vst.msk $0xffff, v2;
	s31 =	sand.u32 $0x7, s13;
	s16 =	sor.u32 s17, s16;
	s17 =	sadd.s32 s3, s30  }
0x11: {  	[tilespmem:s15+$0x1020 ss:$0x81] =	vst.msk $0xffff, v0;
	s13 =	sshll.u32 s31, $0x12;
	s12 =	sadd.s32 s12, s17;
	s16 =	sshrl.u32 s16, $0x3  }
0x12: {  	[tilespmem:s15+$0x0 ss:$0x81] =	vst.msk $0xffff, v1;
	s13 =	sor.u32 $0x400, s13;
	s12 =	sadd.s32 s16, s12  }
0x13: {  	[hbm4b:s12+s13] =	stream.strided.scatter [tilespmem:s14], [sflag:$0x2], $0x2000, s8, s13, $0x20;
	[tilespmem:$0x8080] =	vst v63  }
.LBB1_5:
0x14: {  	s14 =	sadd.s32 $0x1, s9  }
0x15: {  	s12 =	sadd.s32 $0x1000, s10;
	s16 =	smov.u32 s10;
	p2 =	sgt.s32 s14, $0xC7  }
0x16: {  	s16 =	smov.u32 @p2 s12  }
0x17: {  	s14 =	simm.s32 @p2 $0x0;
	p2 =	sgt.s32 s16, $0xFFF  }
0x18: {  	s16 =	smov.u32 @p2 s2;
	p2 =	sne.s32 s11, s7  }
.Ltmp1:
0x19: {  	p1 =	slt.u32 s11, $0x2;
	(pc) =	sbr.rel @!p2 .LBB1_6-.Ltmp1, $4  }
0x1a: {  	s15 =	simm.s32 @!p1 $0x2  }
0x1b: {  	s13 =	smov.u32 s10;
	p0 =	por !p0, !p0;
	_ =	swait.ge @!p1 [sflag:s15], $0x2000  }
0x1c: {  	s12 =	smov.u32 s9;
	[sflag:s15] =	ssyncset.done @!p1 $0x0;
	s9 =	smov.u32 s14  }
0x1d: {  	s11 =	sadd.s32 $0x1, s11;
	[sflag:s15] =	ssyncadd.s32 @!p1 $0xFFFFE000;
	s10 =	smov.u32 s16  }
.LBB1_1:
0x1e: {  	p1 =	sge.u32 s11, s5  }
0x1f: {  	s14 =	sand.u32 @!p1 $0x1FFFFFF, s9  }
0x20: {  	s15 =	smulhi.u32 @!p1 $0x147AE15, s14;
	_ =	sdelay $0x1  }
0x21: {  	s15 =	smul.u32 @!p1 $0xC8, s15  }
0x22: {  	s16 =	sxor.u32 @!p1 $0xFFFFFFFF, s11;
	s17 =	smul.u32 @!p1 $0xC80, s10  }
0x23: {  	s31 =	sadd.s32 $0xFFFFFFFF, s11;
	s16 =	sshll.u32 @!p1 s16, $0xD;
	s14 =	ssub.s32 @!p1 s14, s15  }
0x24: {  	s15 =	sand.u32 @!p1 $0x2000, s16;
	s16 =	sadd.s32 @!p1 s6, s17;
	s14 =	sshll.u32 @!p1 s14, $0x4  }
0x25: {  	s17 =	simm.s32 @!p1 $0x6400;
	s14 =	sadd.s32 @!p1 s14, s16;
	s16 =	simm.s32 @!p1 $0x40  }
0x26: {  	[tilespmem:s15], [sflag:$0x1] =	stream.strided.gather @!p1 [hbm4b:s14+s16], $0x2000, s17, s16, $0x38;
	[tilespmem:$0x8080] =	vst v63  }
0x27: {  	p1 =	sge.u32 s31, s5  }
.Ltmp2:
0x28: {  	_ = 	snop;
	(pc) =	sbr.rel @p1 .LBB1_5-.Ltmp2, $1  }
0x29: {  	_ =	sdelay $0x3  }
0x2a: {  	s14 =	simm.s32 $0x1  }
0x2b: {  	_ =	swait.ge [sflag:s4], $0x2000;
	s14 =	simm.s32 @!p0 $0x0  }
0x2c: {  	[sflag:s4] =	ssyncset.done $0x0;
	s15 =	sshll.u32 s14, $0xD  }
0x2d: {  	[sflag:s4] =	ssyncadd.s32 $0xFFFFE000;
	s18 =	sor.u32 $0x20, s15  }
0x2e: {  	s14 =	smul.u32 $0x8100, s14;
	v3 =	vld [tilespmem:s18+$0x10]  }
0x2f: {  	s30 =	sand.u32 $0x1, s11;
	v2 =	vld [tilespmem:s18+$0xFFFFFFF0]  }
0x30: {  	s15 =	smul.u32 $0x8100, s30;
	s14 =	sshrl.u32 s14, $0x2;
	v0 =	vld [tilespmem:s18+$0x0]  }
0x31: {  	v1 =	vld [tilespmem:s18+$0xFFFFFFE0];
	s16 =	sor.u32 $0x4000, s14  }
0x32: {  	s31 =	sshrl.u32 s15, $0x2;
	s15 =	sadd.s32 $0x0, s16  }
0x33: {  	s17 =	simm.s32 $0x4;
	s18 =	sadd.s32 $0x40, s18;
	s14 =	sor.u32 $0x4000, s31;
	[tilespmem:s15+$0x1830 ss:$0x81] =	vst.msk $0xffff, v3  }
.LBB1_3:
0x34: {  	v3 =	vld [tilespmem:s18+$0x10];
	p1 =	sne.s32 s17, $0x1FC;
	[tilespmem:s15+$0x810 ss:$0x81] =	vst.msk $0xffff, v2;
	s19 =	smov.u32 s17;
	s17 =	sadd.s32 $0x4, s17  }
.Ltmp3:
0x35: {  	v2 =	vld [tilespmem:s18+$0xFFFFFFF0];
	[tilespmem:s15+$0x1020 ss:$0x81] =	vst.msk $0xffff, v0;
	(pc) =	sbr.rel @p1 .LBB1_3-.Ltmp3, $4  }
0x36: {  	v0 =	vld [tilespmem:s18+$0x0];
	[tilespmem:s15+$0x0 ss:$0x81] =	vst.msk $0xffff, v1  }
0x37: {  	s15 =	sshra.s32 s19, $0x2;
	v1 =	vld [tilespmem:s18+$0xFFFFFFE0]  }
0x38: {  	s15 =	sadd.s32 s15, s16  }
0x39: {  	s18 =	sadd.s32 $0x40, s18;
	[tilespmem:s15+$0x1830 ss:$0x81] =	vst.msk $0xffff, v3  }
.Ltmp4:
0x3a: {  	_ = 	snop;
	(pc) =	sbr.rel .LBB1_4-.Ltmp4, $1  }
0x3b: {  	_ =	sdelay $0x3  }
.LBB1_6:
0x3c: {  	_ =	sfence.sel $0x180000  }
0x3d: {  	s2 =	simm.s32 $0x1;
	[bflag:$0x0] =	sbarrier.arrive $0xFFFF  }
0x3e: {  	s31 =	simm.s32 $0x2;
	[sflag:s2] =	ssyncpa.u1 $0x1  }
0x3f: {  	[sflag:s31] =	ssyncpa.u1 $0x1  }
0x40: {  	p0 =	sne.s32 s0, $0x0;
	_ =	strace $0x9000004A  }
0x41: {  	s0 =	sadd.s32 @!p0 $0x100000, s1;
	[bflag:$0x2] =	sbarrier.arrive $0xFFFF  }
0x42: {  	[sflag:s0] =	ssyncadd.tile.s32 @!p0 $0x1;
	_ =	shalt  }
.Lfunc_end1:
_tile_overlayer_lowered:
.L_overlay_start_2:
0x43: {  	(tag) =	ssettag $0x2  }
0x44: {  	s0 =	rddreg [dreg:$0x0];
	s2 =	stileid.u32  }
0x45: {  	s1 =	rddreg [dreg:$0x1];
	p0 =	sne.s32 s2, $0x0  }
0x46: {  	s3 =	rddreg [dreg:$0x2];
	[bflag:$0x3] =	sbarrier.arrive $0xFFFF;
	s2 =	simm.s32 @!p0 $0x1C01  }
0x47: {  	[timem:s3], [sflag:s2] =	dma.local @!p0 [hbm:s0], s1  }
0x48: {  	s0 =	simm.s32 @!p0 $0x1  }
0x49: {  	_ =	swait.ge @!p0 [sflag:s0], s1  }
0x4a: {  	s1 =	ssub.s32 @!p0 $0x0, s1;
	[sflag:s0] =	ssyncset.done @!p0 $0x0  }
0x4b: {  	[sflag:s0] =	ssyncadd.s32 @!p0 s1  }
0x4c: {  	[bflag:$0x3] =	sbarrier.arrive $0xFFFF  }
0x4d: {  	_ =	shalt  }

</sc_bundles>
